<compile_context>
chip_gen: v7x
topology: tpu7x:2x2x1
jax: 0.10.2.dev20260603
libtpu: 0.0.44.dev20260713+nightly
codegen_flags: <defaults>
</compile_context>

<pallas_src>
import jax
import jax.numpy as jnp
from jax import lax
from jax.experimental import pallas as pl
from jax.experimental.pallas import tpu as pltpu
from jax.experimental.pallas import tpu_sc as plsc

N_NODES = 10000
N_EDGES = 320000
D = 128
DW = D // 2
L = 16

NC = 2
NS = 16
NW = NC * NS
EPW = N_EDGES // NW
CHUNK = 200
N_CHUNKS = EPW // CHUNK
N_GROUPS = CHUNK // L
REM = CHUNK - N_GROUPS * L

RPT = N_NODES // NS
SLAB = 125
N_SLABS = RPT // SLAB


def _sc_body(x_hbm, src_hbm, dst_hbm, rel_hbm, bias_hbm, out_hbm, xpk_hbm,
             src_v, dst_v, xu0, xv0, xu1, xv1, out0, out1,
             pin0, pin1, pack_out, rel_sv, bias_v, acc_s,
             sem_u0, sem_v0, sem_u1, sem_v1, sem_o0, sem_o1,
             sem_p0, sem_p1):
    wid = lax.axis_index("s") * NC + lax.axis_index("c")
    sid = lax.axis_index("s")
    base = pl.multiple_of(wid * EPW, 8)
    lane = lax.iota(jnp.int32, L)

    pins = (pin0, pin1)
    psems = (sem_p0, sem_p1)
    r00 = sid * RPT
    pltpu.async_copy(x_hbm.at[pl.ds(r00, SLAB)], pin0, sem_p0)
    for k in range(N_SLABS):
        pin, sem_p = pins[k % 2], psems[k % 2]
        pltpu.make_async_copy(x_hbm.at[pl.ds(0, SLAB)], pin, sem_p).wait()
        if k + 1 < N_SLABS:
            nxt = (k + 1) % 2
            pltpu.async_copy(x_hbm.at[pl.ds(r00 + (k + 1) * SLAB, SLAB)],
                             pins[nxt], psems[nxt])

        def row_body(r, c2, pin=pin):
            for i in range(DW // L):
                a = plsc.bitcast(pin[r, pl.ds(2 * L * i, L)], jnp.float32)
                b = plsc.bitcast(pin[r, pl.ds(2 * L * i + L, L)], jnp.float32)
                w = plsc.pack(a, b, format=plsc.PackFormat.INTERLEAVED)
                pack_out[r, pl.ds(L * i, L)] = plsc.bitcast(w, jnp.int32)
            return c2

        lax.fori_loop(0, SLAB, row_body, 0)
        pltpu.sync_copy(pack_out, xpk_hbm.at[pl.ds(r00 + k * SLAB, SLAB)])

    pltpu.sync_copy(rel_hbm, rel_sv)
    pltpu.sync_copy(bias_hbm, bias_v)
    rel = []
    for i in range(DW // L):
        a = plsc.bitcast(rel_sv[pl.ds(2 * L * i, L)], jnp.float32)
        b = plsc.bitcast(rel_sv[pl.ds(2 * L * i + L, L)], jnp.float32)
        rel.append(plsc.pack(a, b, format=plsc.PackFormat.INTERLEAVED))
    bias_vec = bias_v[pl.ds(0, L)]

    pltpu.sync_copy(src_hbm.at[pl.ds(base, EPW)], src_v)
    pltpu.sync_copy(dst_hbm.at[pl.ds(base, EPW)], dst_v)

    plsc.subcore_barrier()

    bufs = ((xu0, xv0, out0, sem_u0, sem_v0, sem_o0),
            (xu1, xv1, out1, sem_u1, sem_v1, sem_o1))

    def issue(c, xu, xv, sem_u, sem_v):
        off = c * CHUNK
        pltpu.async_copy(xpk_hbm.at[src_v.at[pl.ds(off, CHUNK)]], xu, sem_u)
        pltpu.async_copy(xpk_hbm.at[dst_v.at[pl.ds(off, CHUNK)]], xv, sem_v)

    def wait_rows(xu, xv, sem_u, sem_v):
        pltpu.make_async_copy(xpk_hbm.at[pl.ds(0, CHUNK)], xu, sem_u).wait()
        pltpu.make_async_copy(xpk_hbm.at[pl.ds(0, CHUNK)], xv, sem_v).wait()

    def edge_acc(xu, xv, e):
        acc0 = None
        acc1 = None
        for i in range(DW // L):
            pu = plsc.bitcast(xu[e, pl.ds(i * L, L)], jnp.bfloat16)
            pv = plsc.bitcast(xv[e, pl.ds(i * L, L)], jnp.bfloat16)
            prod = (pu * rel[i]) * pv
            a, b = plsc.unpack(prod, format=plsc.PackFormat.INTERLEAVED,
                               preferred_element_type=jnp.float32)
            if acc0 is None:
                acc0, acc1 = a, b
            else:
                acc0 = acc0 + a
                acc1 = acc1 + b
        return acc0 + acc1

    def tile_rowsum():
        rows = [acc_s[pl.ds(i * L, L)] for i in range(L)]
        while len(rows) > 1:
            rows = [rows[i] + rows[i + 1] for i in range(0, len(rows), 2)]
        return rows[0]

    def compute(xu, xv, out_v):
        def group_body(g, gcarry):
            def edge_body(j, ecarry):
                acc = edge_acc(xu, xv, g * L + j)
                plsc.store_scatter(acc_s, [lane * L + j], acc)
                return ecarry

            lax.fori_loop(0, L, edge_body, 0)
            out_v[pl.ds(g * L, L)] = tile_rowsum() + bias_vec
            return gcarry

        lax.fori_loop(0, N_GROUPS, group_body, 0)
        if REM:
            def tail_edge(j, ecarry):
                acc = edge_acc(xu, xv, N_GROUPS * L + j)
                plsc.store_scatter(acc_s, [lane * L + j], acc)
                return ecarry

            lax.fori_loop(0, REM, tail_edge, 0)
            plsc.store_scatter(out_v, [N_GROUPS * L + lane],
                               tile_rowsum() + bias_vec, mask=lane < REM)

    issue(0, xu0, xv0, sem_u0, sem_v0)
    issue(1, xu1, xv1, sem_u1, sem_v1)

    def pair_body(p, carry):
        for s in range(2):
            c = 2 * p + s
            xu, xv, out_v, sem_u, sem_v, sem_o = bufs[s]
            wait_rows(xu, xv, sem_u, sem_v)

            @pl.when(c >= 2)
            def _():
                pltpu.make_async_copy(
                    out_v, out_hbm.at[pl.ds(0, CHUNK)], sem_o).wait()

            compute(xu, xv, out_v)

            @pl.when(c + 2 < N_CHUNKS)
            def _():
                issue(c + 2, xu, xv, sem_u, sem_v)

            cb = pl.multiple_of(base + c * CHUNK, 8)
            pltpu.async_copy(out_v, out_hbm.at[pl.ds(cb, CHUNK)], sem_o)
        return carry

    lax.fori_loop(0, N_CHUNKS // 2, pair_body, 0)
    pltpu.make_async_copy(out0, out_hbm.at[pl.ds(0, CHUNK)], sem_o0).wait()
    pltpu.make_async_copy(out1, out_hbm.at[pl.ds(0, CHUNK)], sem_o1).wait()


@jax.jit
def _scores_sc(x32, src, dst, rel32, bias16):
    mesh = plsc.VectorSubcoreMesh(core_axis_name="c", subcore_axis_name="s")
    scores, _ = pl.kernel(
        _sc_body,
        out_type=(
            jax.ShapeDtypeStruct((N_EDGES,), jnp.float32),
            jax.ShapeDtypeStruct((N_NODES, DW), jnp.int32),
        ),
        mesh=mesh,
        scratch_types=[
            pltpu.VMEM((EPW,), jnp.int32),
            pltpu.VMEM((EPW,), jnp.int32),
            pltpu.VMEM((CHUNK, DW), jnp.int32),
            pltpu.VMEM((CHUNK, DW), jnp.int32),
            pltpu.VMEM((CHUNK, DW), jnp.int32),
            pltpu.VMEM((CHUNK, DW), jnp.int32),
            pltpu.VMEM((CHUNK,), jnp.float32),
            pltpu.VMEM((CHUNK,), jnp.float32),
            pltpu.VMEM((SLAB, D), jnp.int32),
            pltpu.VMEM((SLAB, D), jnp.int32),
            pltpu.VMEM((SLAB, DW), jnp.int32),
            pltpu.VMEM((D,), jnp.int32),
            pltpu.VMEM((L,), jnp.float32),
            pltpu.VMEM((L * L,), jnp.float32),
            pltpu.SemaphoreType.DMA,
            pltpu.SemaphoreType.DMA,
            pltpu.SemaphoreType.DMA,
            pltpu.SemaphoreType.DMA,
            pltpu.SemaphoreType.DMA,
            pltpu.SemaphoreType.DMA,
            pltpu.SemaphoreType.DMA,
            pltpu.SemaphoreType.DMA,
        ],
        compiler_params=pltpu.CompilerParams(needs_layout_passes=False,
                                             use_tc_tiling_on_sc=False),
        name="distmult_sc",
    )(x32, src, dst, rel32, bias16)
    return scores


def kernel(x, edge_index, edge_pairs, relation, bias):
    del edge_index
    x32 = jax.lax.bitcast_convert_type(x, jnp.int32)
    rel32 = jax.lax.bitcast_convert_type(relation.astype(jnp.float32),
                                         jnp.int32)
    ep = edge_pairs.astype(jnp.int32)
    bias16 = jnp.broadcast_to(bias.astype(jnp.float32), (L,))
    return _scores_sc(x32, ep[:, 0], ep[:, 1], rel32, bias16)

# --- scband reference (transcript-rebuilt; emitter-appended) ---
"""Pipeline reference for scband-dist-mult-link-predictor-68143951118896 (READ-ONLY COPY).

The authoritative reference and input builder live on the scoring server;
editing this copy changes nothing except your own understanding.
"""

import jax, jax.numpy as jnp
import numpy as np

N_NODES = 10000
N_EDGES = 320000
D = 128

def setup_inputs(seed: int = 0) -> dict:
    key = jax.random.key(seed)
    k1, k2, k3 = jax.random.split(key, 3)
    x = jax.random.normal(k1, (N_NODES, D), dtype=jnp.float32)
    edge_index = jax.random.randint(k2, (2, N_EDGES), 0, N_NODES, dtype=jnp.int64)
    edge_pairs = jax.random.randint(k3, (N_EDGES, 2), 0, N_NODES, dtype=jnp.int64)
    relation = jnp.ones((D,), dtype=jnp.float32)
    bias = jnp.zeros((1,), dtype=jnp.float32)
    return {"x": x, "edge_index": edge_index, "edge_pairs": edge_pairs, "relation": relation, "bias": bias}

def reference(x, edge_index, edge_pairs, relation, bias):
    # edge_index is unused (deleted in the original forward)
    del edge_index
    src = edge_pairs[:, 0]
    dst = edge_pairs[:, 1]
    xu = jnp.take(x, src, axis=0)
    xv = jnp.take(x, dst, axis=0)
    scores = jnp.sum(xu * relation * xv, axis=1) + bias[0]
    return scores.reshape(-1)

if __name__ == "__main__":
    import jax
    _d = setup_inputs()
    print(jax.jit(kernel)(*tuple(_d.values())))

</pallas_src>

<mosaic_0001>
#map = affine_map<(d0, d1) -> (0, 0)>
#map1 = affine_map<(d0, d1) -> (0)>
module attributes {stable_mosaic.version = 14 : i64} {
  func.func @distmult_sc(%arg0: i32, %arg1: i32, %arg2: memref<10000x128xi32, #tpu.memory_space<hbm>>, %arg3: memref<320000xi32, #tpu.memory_space<hbm>>, %arg4: memref<320000xi32, #tpu.memory_space<hbm>>, %arg5: memref<128xi32, #tpu.memory_space<hbm>>, %arg6: memref<16xf32, #tpu.memory_space<hbm>>, %arg7: memref<320000xf32, #tpu.memory_space<hbm>>, %arg8: memref<10000x64xi32, #tpu.memory_space<hbm>>, %arg9: memref<10000xi32, #tpu.memory_space<vmem>>, %arg10: memref<10000xi32, #tpu.memory_space<vmem>>, %arg11: memref<200x64xi32, #tpu.memory_space<vmem>>, %arg12: memref<200x64xi32, #tpu.memory_space<vmem>>, %arg13: memref<200x64xi32, #tpu.memory_space<vmem>>, %arg14: memref<200x64xi32, #tpu.memory_space<vmem>>, %arg15: memref<200xf32, #tpu.memory_space<vmem>>, %arg16: memref<200xf32, #tpu.memory_space<vmem>>, %arg17: memref<125x128xi32, #tpu.memory_space<vmem>>, %arg18: memref<125x128xi32, #tpu.memory_space<vmem>>, %arg19: memref<125x64xi32, #tpu.memory_space<vmem>>, %arg20: memref<128xi32, #tpu.memory_space<vmem>>, %arg21: memref<16xf32, #tpu.memory_space<vmem>>, %arg22: memref<256xf32, #tpu.memory_space<vmem>>, %arg23: memref<!tpu.dma_semaphore, #tpu.memory_space<semaphore_mem>>, %arg24: memref<!tpu.dma_semaphore, #tpu.memory_space<semaphore_mem>>, %arg25: memref<!tpu.dma_semaphore, #tpu.memory_space<semaphore_mem>>, %arg26: memref<!tpu.dma_semaphore, #tpu.memory_space<semaphore_mem>>, %arg27: memref<!tpu.dma_semaphore, #tpu.memory_space<semaphore_mem>>, %arg28: memref<!tpu.dma_semaphore, #tpu.memory_space<semaphore_mem>>, %arg29: memref<!tpu.dma_semaphore, #tpu.memory_space<semaphore_mem>>, %arg30: memref<!tpu.dma_semaphore, #tpu.memory_space<semaphore_mem>>) attributes {dimension_semantics = [#tpu.dimension_semantics<core_parallel>, #tpu.dimension_semantics<subcore_parallel>], iteration_bounds = array<i64: 2, 16>, scalar_prefetch = 0 : i64, scratch_operands = 22 : i64, tpu.core_type = #tpu.core_type<sc_vector_subcore>, window_params = [{transform_indices = #map}, {transform_indices = #map1}, {transform_indices = #map1}, {transform_indices = #map1}, {transform_indices = #map1}, {transform_indices = #map1}, {transform_indices = #map}]} {
    %mul3A = arith.constant 2 : i32
    %mul3A_0 = arith.muli %arg1, %mul3A : i32
    %add3A = arith.addi %mul3A_0, %arg0 : i32
    %mul3A_1 = arith.constant 10000 : i32
    %mul3A_2 = arith.muli %add3A, %mul3A_1 : i32
    %multiple_of3A = tpu.assume_multiple %mul3A_2, 8 : i32
    %iota3A = tpu.iota {dimensions = array<i32: 0>} : vector<16xi32>
    %mul3A_3 = arith.constant 625 : i32
    %mul3A_4 = arith.muli %arg1, %mul3A_3 : i32
    %dma_start3A = arith.constant 0 : i32
    %dma_start3A_5 = tpu.memref_slice %arg2[%mul3A_4, %dma_start3A] : memref<10000x128xi32, #tpu.memory_space<hbm>> -> memref<125x128xi32, #tpu.memory_space<hbm>>
    %dma_start3A_6 = arith.constant 0 : i32
    %dma_start3A_7 = tpu.memref_slice %arg2[%mul3A_4, %dma_start3A_6] : memref<10000x128xi32, #tpu.memory_space<hbm>> -> memref<125x128xi32, #tpu.memory_space<hbm>>
    tpu.enqueue_dma source(%dma_start3A_7 : memref<125x128xi32, #tpu.memory_space<hbm>>) target(%arg17 : memref<125x128xi32, #tpu.memory_space<vmem>>) target_semaphore(%arg29 : memref<!tpu.dma_semaphore, #tpu.memory_space<semaphore_mem>>)
    %dma_wait3A = arith.constant 0 : i32
    %dma_wait3A_8 = arith.constant 0 : i32
    %dma_wait3A_9 = tpu.memref_slice %arg2[%dma_wait3A, %dma_wait3A_8] : memref<10000x128xi32, #tpu.memory_space<hbm>> -> memref<125x128xi32, #tpu.memory_space<hbm>>
    %dma_wait3A_10 = arith.constant 0 : i32
    %dma_wait3A_11 = arith.constant 0 : i32
    %dma_wait3A_12 = tpu.memref_slice %arg2[%dma_wait3A_10, %dma_wait3A_11] : memref<10000x128xi32, #tpu.memory_space<hbm>> -> memref<125x128xi32, #tpu.memory_space<hbm>>
    tpu.wait_dma2 semaphore(%arg29 : memref<!tpu.dma_semaphore, #tpu.memory_space<semaphore_mem>>) src(%dma_wait3A_12 : memref<125x128xi32, #tpu.memory_space<hbm>>) dst(%arg17 : memref<125x128xi32, #tpu.memory_space<vmem>>)
    %add3A_13 = arith.constant 125 : i32
    %add3A_14 = arith.addi %mul3A_4, %add3A_13 : i32
    %dma_start3A_15 = arith.constant 0 : i32
    %dma_start3A_16 = tpu.memref_slice %arg2[%add3A_14, %dma_start3A_15] : memref<10000x128xi32, #tpu.memory_space<hbm>> -> memref<125x128xi32, #tpu.memory_space<hbm>>
    %dma_start3A_17 = arith.constant 0 : i32
    %dma_start3A_18 = tpu.memref_slice %arg2[%add3A_14, %dma_start3A_17] : memref<10000x128xi32, #tpu.memory_space<hbm>> -> memref<125x128xi32, #tpu.memory_space<hbm>>
    tpu.enqueue_dma source(%dma_start3A_18 : memref<125x128xi32, #tpu.memory_space<hbm>>) target(%arg18 : memref<125x128xi32, #tpu.memory_space<vmem>>) target_semaphore(%arg30 : memref<!tpu.dma_semaphore, #tpu.memory_space<semaphore_mem>>)
    %scan3A = arith.constant 0 : i32
    %scan3A_19 = arith.constant 0 : i32
    %scan3A_20 = arith.constant 125 : i32
    %scan3A_21 = arith.addi %scan3A_19, %scan3A_20 : i32
    %scan3A_22 = arith.constant 1 : i32
    scf.for %scan3A_161 = %scan3A_19 to %scan3A_21 step %scan3A_22  : i32 {
      %get3A_162 = arith.index_cast %scan3A_161 : i32 to index
      %get3A_163 = arith.constant 0 : index
      %get3A_164 = tpu.vector_load %arg17[%get3A_162, %get3A_163] {strides = array<i32>} : memref<125x128xi32, #tpu.memory_space<vmem>>, vector<16xi32>,
      %bitcast3A_165 = vector.bitcast %get3A_164 : vector<16xi32> to vector<16xf32>
      %get3A_166 = arith.index_cast %scan3A_161 : i32 to index
      %get3A_167 = arith.constant 16 : index
      %get3A_168 = tpu.vector_load %arg17[%get3A_166, %get3A_167] {strides = array<i32>} : memref<125x128xi32, #tpu.memory_space<vmem>>, vector<16xi32>,
      %bitcast3A_169 = vector.bitcast %get3A_168 : vector<16xi32> to vector<16xf32>
      %pack3A_170 = tpu.pack_subelements %bitcast3A_165, %bitcast3A_169 {pack_format = #tpu.pack_format<interleaved>, positions = array<i32: 0, 1>} : vector<16xf32>, vector<16xf32> -> vector<32xbf16>
      %bitcast3A_171 = vector.bitcast %pack3A_170 : vector<32xbf16> to vector<16xi32>
      %swap3A = arith.index_cast %scan3A_161 : i32 to index
      %swap3A_172 = arith.constant 0 : index
      %swap3A_173 = tpu.vector_load %arg19[%swap3A, %swap3A_172] {strides = array<i32>} : memref<125x64xi32, #tpu.memory_space<vmem>>, vector<16xi32>,
      tpu.vector_store %arg19[%swap3A, %swap3A_172], %bitcast3A_171 {strides = array<i32>} : memref<125x64xi32, #tpu.memory_space<vmem>>, vector<16xi32>,
      %get3A_174 = arith.index_cast %scan3A_161 : i32 to index
      %get3A_175 = arith.constant 32 : index
      %get3A_176 = tpu.vector_load %arg17[%get3A_174, %get3A_175] {strides = array<i32>} : memref<125x128xi32, #tpu.memory_space<vmem>>, vector<16xi32>,
      %bitcast3A_177 = vector.bitcast %get3A_176 : vector<16xi32> to vector<16xf32>
      %get3A_178 = arith.index_cast %scan3A_161 : i32 to index
      %get3A_179 = arith.constant 48 : index
      %get3A_180 = tpu.vector_load %arg17[%get3A_178, %get3A_179] {strides = array<i32>} : memref<125x128xi32, #tpu.memory_space<vmem>>, vector<16xi32>,
      %bitcast3A_181 = vector.bitcast %get3A_180 : vector<16xi32> to vector<16xf32>
      %pack3A_182 = tpu.pack_subelements %bitcast3A_177, %bitcast3A_181 {pack_format = #tpu.pack_format<interleaved>, positions = array<i32: 0, 1>} : vector<16xf32>, vector<16xf32> -> vector<32xbf16>
      %bitcast3A_183 = vector.bitcast %pack3A_182 : vector<32xbf16> to vector<16xi32>
      %swap3A_184 = arith.index_cast %scan3A_161 : i32 to index
      %swap3A_185 = arith.constant 16 : index
      %swap3A_186 = tpu.vector_load %arg19[%swap3A_184, %swap3A_185] {strides = array<i32>} : memref<125x64xi32, #tpu.memory_space<vmem>>, vector<16xi32>,
      tpu.vector_store %arg19[%swap3A_184, %swap3A_185], %bitcast3A_183 {strides = array<i32>} : memref<125x64xi32, #tpu.memory_space<vmem>>, vector<16xi32>,
      %get3A_187 = arith.index_cast %scan3A_161 : i32 to index
      %get3A_188 = arith.constant 64 : index
      %get3A_189 = tpu.vector_load %arg17[%get3A_187, %get3A_188] {strides = array<i32>} : memref<125x128xi32, #tpu.memory_space<vmem>>, vector<16xi32>,
      %bitcast3A_190 = vector.bitcast %get3A_189 : vector<16xi32> to vector<16xf32>
      %get3A_191 = arith.index_cast %scan3A_161 : i32 to index
      %get3A_192 = arith.constant 80 : index
      %get3A_193 = tpu.vector_load %arg17[%get3A_191, %get3A_192] {strides = array<i32>} : memref<125x128xi32, #tpu.memory_space<vmem>>, vector<16xi32>,
      %bitcast3A_194 = vector.bitcast %get3A_193 : vector<16xi32> to vector<16xf32>
      %pack3A_195 = tpu.pack_subelements %bitcast3A_190, %bitcast3A_194 {pack_format = #tpu.pack_format<interleaved>, positions = array<i32: 0, 1>} : vector<16xf32>, vector<16xf32> -> vector<32xbf16>
      %bitcast3A_196 = vector.bitcast %pack3A_195 : vector<32xbf16> to vector<16xi32>
      %swap3A_197 = arith.index_cast %scan3A_161 : i32 to index
      %swap3A_198 = arith.constant 32 : index
      %swap3A_199 = tpu.vector_load %arg19[%swap3A_197, %swap3A_198] {strides = array<i32>} : memref<125x64xi32, #tpu.memory_space<vmem>>, vector<16xi32>,
      tpu.vector_store %arg19[%swap3A_197, %swap3A_198], %bitcast3A_196 {strides = array<i32>} : memref<125x64xi32, #tpu.memory_space<vmem>>, vector<16xi32>,
      %get3A_200 = arith.index_cast %scan3A_161 : i32 to index
      %get3A_201 = arith.constant 96 : index
      %get3A_202 = tpu.vector_load %arg17[%get3A_200, %get3A_201] {strides = array<i32>} : memref<125x128xi32, #tpu.memory_space<vmem>>, vector<16xi32>,
      %bitcast3A_203 = vector.bitcast %get3A_202 : vector<16xi32> to vector<16xf32>
      %get3A_204 = arith.index_cast %scan3A_161 : i32 to index
      %get3A_205 = arith.constant 112 : index
      %get3A_206 = tpu.vector_load %arg17[%get3A_204, %get3A_205] {strides = array<i32>} : memref<125x128xi32, #tpu.memory_space<vmem>>, vector<16xi32>,
      %bitcast3A_207 = vector.bitcast %get3A_206 : vector<16xi32> to vector<16xf32>
      %pack3A_208 = tpu.pack_subelements %bitcast3A_203, %bitcast3A_207 {pack_format = #tpu.pack_format<interleaved>, positions = array<i32: 0, 1>} : vector<16xf32>, vector<16xf32> -> vector<32xbf16>
      %bitcast3A_209 = vector.bitcast %pack3A_208 : vector<32xbf16> to vector<16xi32>
      %swap3A_210 = arith.index_cast %scan3A_161 : i32 to index
      %swap3A_211 = arith.constant 48 : index
      %swap3A_212 = tpu.vector_load %arg19[%swap3A_210, %swap3A_211] {strides = array<i32>} : memref<125x64xi32, #tpu.memory_space<vmem>>, vector<16xi32>,
      tpu.vector_store %arg19[%swap3A_210, %swap3A_211], %bitcast3A_209 {strides = array<i32>} : memref<125x64xi32, #tpu.memory_space<vmem>>, vector<16xi32>,
    }
    %scan3A_23 = arith.constant 125 : i32
    %add3A_24 = arith.constant 0 : i32
    %add3A_25 = arith.addi %mul3A_4, %add3A_24 : i32
    "tpu.region"() ({
      %run_scoped3A = tpu.sem_alloc : memref<!tpu.dma_semaphore, #tpu.memory_space<semaphore_mem>>
      %dma_start3A_161 = arith.constant 0 : i32
      %dma_start3A_162 = tpu.memref_slice %arg8[%add3A_25, %dma_start3A_161] : memref<10000x64xi32, #tpu.memory_space<hbm>> -> memref<125x64xi32, #tpu.memory_space<hbm>>
      %dma_start3A_163 = arith.constant 0 : i32
      %dma_start3A_164 = tpu.memref_slice %arg8[%add3A_25, %dma_start3A_163] : memref<10000x64xi32, #tpu.memory_space<hbm>> -> memref<125x64xi32, #tpu.memory_space<hbm>>
      tpu.enqueue_dma source(%arg19 : memref<125x64xi32, #tpu.memory_space<vmem>>) target(%dma_start3A_164 : memref<125x64xi32, #tpu.memory_space<hbm>>) target_semaphore(%run_scoped3A : memref<!tpu.dma_semaphore, #tpu.memory_space<semaphore_mem>>)
      %dma_wait3A_165 = arith.constant 0 : i32
      %dma_wait3A_166 = tpu.memref_slice %arg8[%add3A_25, %dma_wait3A_165] : memref<10000x64xi32, #tpu.memory_space<hbm>> -> memref<125x64xi32, #tpu.memory_space<hbm>>
      %dma_wait3A_167 = arith.constant 0 : i32
      %dma_wait3A_168 = tpu.memref_slice %arg8[%add3A_25, %dma_wait3A_167] : memref<10000x64xi32, #tpu.memory_space<hbm>> -> memref<125x64xi32, #tpu.memory_space<hbm>>
      tpu.wait_dma2 semaphore(%run_scoped3A : memref<!tpu.dma_semaphore, #tpu.memory_space<semaphore_mem>>) src(%arg19 : memref<125x64xi32, #tpu.memory_space<vmem>>) dst(%dma_wait3A_168 : memref<125x64xi32, #tpu.memory_space<hbm>>)
      tpu.yield
    }) : () -> ()
    %dma_wait3A_26 = arith.constant 0 : i32
    %dma_wait3A_27 = arith.constant 0 : i32
    %dma_wait3A_28 = tpu.memref_slice %arg2[%dma_wait3A_26, %dma_wait3A_27] : memref<10000x128xi32, #tpu.memory_space<hbm>> -> memref<125x128xi32, #tpu.memory_space<hbm>>
    %dma_wait3A_29 = arith.constant 0 : i32
    %dma_wait3A_30 = arith.constant 0 : i32
    %dma_wait3A_31 = tpu.memref_slice %arg2[%dma_wait3A_29, %dma_wait3A_30] : memref<10000x128xi32, #tpu.memory_space<hbm>> -> memref<125x128xi32, #tpu.memory_space<hbm>>
    tpu.wait_dma2 semaphore(%arg30 : memref<!tpu.dma_semaphore, #tpu.memory_space<semaphore_mem>>) src(%dma_wait3A_31 : memref<125x128xi32, #tpu.memory_space<hbm>>) dst(%arg18 : memref<125x128xi32, #tpu.memory_space<vmem>>)
    %add3A_32 = arith.constant 250 : i32
    %add3A_33 = arith.addi %mul3A_4, %add3A_32 : i32
    %dma_start3A_34 = arith.constant 0 : i32
    %dma_start3A_35 = tpu.memref_slice %arg2[%add3A_33, %dma_start3A_34] : memref<10000x128xi32, #tpu.memory_space<hbm>> -> memref<125x128xi32, #tpu.memory_space<hbm>>
    %dma_start3A_36 = arith.constant 0 : i32
    %dma_start3A_37 = tpu.memref_slice %arg2[%add3A_33, %dma_start3A_36] : memref<10000x128xi32, #tpu.memory_space<hbm>> -> memref<125x128xi32, #tpu.memory_space<hbm>>
    tpu.enqueue_dma source(%dma_start3A_37 : memref<125x128xi32, #tpu.memory_space<hbm>>) target(%arg17 : memref<125x128xi32, #tpu.memory_space<vmem>>) target_semaphore(%arg29 : memref<!tpu.dma_semaphore, #tpu.memory_space<semaphore_mem>>)
    %scan3A_38 = arith.constant 0 : i32
    %scan3A_39 = arith.constant 0 : i32
    %scan3A_40 = arith.constant 125 : i32
    %scan3A_41 = arith.addi %scan3A_39, %scan3A_40 : i32
    %scan3A_42 = arith.constant 1 : i32
    scf.for %scan3A_161 = %scan3A_39 to %scan3A_41 step %scan3A_42  : i32 {
      %get3A_162 = arith.index_cast %scan3A_161 : i32 to index
      %get3A_163 = arith.constant 0 : index
      %get3A_164 = tpu.vector_load %arg18[%get3A_162, %get3A_163] {strides = array<i32>} : memref<125x128xi32, #tpu.memory_space<vmem>>, vector<16xi32>,
      %bitcast3A_165 = vector.bitcast %get3A_164 : vector<16xi32> to vector<16xf32>
      %get3A_166 = arith.index_cast %scan3A_161 : i32 to index
      %get3A_167 = arith.constant 16 : index
      %get3A_168 = tpu.vector_load %arg18[%get3A_166, %get3A_167] {strides = array<i32>} : memref<125x128xi32, #tpu.memory_space<vmem>>, vector<16xi32>,
      %bitcast3A_169 = vector.bitcast %get3A_168 : vector<16xi32> to vector<16xf32>
      %pack3A_170 = tpu.pack_subelements %bitcast3A_165, %bitcast3A_169 {pack_format = #tpu.pack_format<interleaved>, positions = array<i32: 0, 1>} : vector<16xf32>, vector<16xf32> -> vector<32xbf16>
      %bitcast3A_171 = vector.bitcast %pack3A_170 : vector<32xbf16> to vector<16xi32>
      %swap3A = arith.index_cast %scan3A_161 : i32 to index
      %swap3A_172 = arith.constant 0 : index
      %swap3A_173 = tpu.vector_load %arg19[%swap3A, %swap3A_172] {strides = array<i32>} : memref<125x64xi32, #tpu.memory_space<vmem>>, vector<16xi32>,
      tpu.vector_store %arg19[%swap3A, %swap3A_172], %bitcast3A_171 {strides = array<i32>} : memref<125x64xi32, #tpu.memory_space<vmem>>, vector<16xi32>,
      %get3A_174 = arith.index_cast %scan3A_161 : i32 to index
      %get3A_175 = arith.constant 32 : index
      %get3A_176 = tpu.vector_load %arg18[%get3A_174, %get3A_175] {strides = array<i32>} : memref<125x128xi32, #tpu.memory_space<vmem>>, vector<16xi32>,
      %bitcast3A_177 = vector.bitcast %get3A_176 : vector<16xi32> to vector<16xf32>
      %get3A_178 = arith.index_cast %scan3A_161 : i32 to index
      %get3A_179 = arith.constant 48 : index
      %get3A_180 = tpu.vector_load %arg18[%get3A_178, %get3A_179] {strides = array<i32>} : memref<125x128xi32, #tpu.memory_space<vmem>>, vector<16xi32>,
      %bitcast3A_181 = vector.bitcast %get3A_180 : vector<16xi32> to vector<16xf32>
      %pack3A_182 = tpu.pack_subelements %bitcast3A_177, %bitcast3A_181 {pack_format = #tpu.pack_format<interleaved>, positions = array<i32: 0, 1>} : vector<16xf32>, vector<16xf32> -> vector<32xbf16>
      %bitcast3A_183 = vector.bitcast %pack3A_182 : vector<32xbf16> to vector<16xi32>
      %swap3A_184 = arith.index_cast %scan3A_161 : i32 to index
      %swap3A_185 = arith.constant 16 : index
      %swap3A_186 = tpu.vector_load %arg19[%swap3A_184, %swap3A_185] {strides = array<i32>} : memref<125x64xi32, #tpu.memory_space<vmem>>, vector<16xi32>,
      tpu.vector_store %arg19[%swap3A_184, %swap3A_185], %bitcast3A_183 {strides = array<i32>} : memref<125x64xi32, #tpu.memory_space<vmem>>, vector<16xi32>,
      %get3A_187 = arith.index_cast %scan3A_161 : i32 to index
      %get3A_188 = arith.constant 64 : index
      %get3A_189 = tpu.vector_load %arg18[%get3A_187, %get3A_188] {strides = array<i32>} : memref<125x128xi32, #tpu.memory_space<vmem>>, vector<16xi32>,
      %bitcast3A_190 = vector.bitcast %get3A_189 : vector<16xi32> to vector<16xf32>
      %get3A_191 = arith.index_cast %scan3A_161 : i32 to index
      %get3A_192 = arith.constant 80 : index
      %get3A_193 = tpu.vector_load %arg18[%get3A_191, %get3A_192] {strides = array<i32>} : memref<125x128xi32, #tpu.memory_space<vmem>>, vector<16xi32>,
      %bitcast3A_194 = vector.bitcast %get3A_193 : vector<16xi32> to vector<16xf32>
      %pack3A_195 = tpu.pack_subelements %bitcast3A_190, %bitcast3A_194 {pack_format = #tpu.pack_format<interleaved>, positions = array<i32: 0, 1>} : vector<16xf32>, vector<16xf32> -> vector<32xbf16>
      %bitcast3A_196 = vector.bitcast %pack3A_195 : vector<32xbf16> to vector<16xi32>
      %swap3A_197 = arith.index_cast %scan3A_161 : i32 to index
      %swap3A_198 = arith.constant 32 : index
      %swap3A_199 = tpu.vector_load %arg19[%swap3A_197, %swap3A_198] {strides = array<i32>} : memref<125x64xi32, #tpu.memory_space<vmem>>, vector<16xi32>,
      tpu.vector_store %arg19[%swap3A_197, %swap3A_198], %bitcast3A_196 {strides = array<i32>} : memref<125x64xi32, #tpu.memory_space<vmem>>, vector<16xi32>,
      %get3A_200 = arith.index_cast %scan3A_161 : i32 to index
      %get3A_201 = arith.constant 96 : index
      %get3A_202 = tpu.vector_load %arg18[%get3A_200, %get3A_201] {strides = array<i32>} : memref<125x128xi32, #tpu.memory_space<vmem>>, vector<16xi32>,
      %bitcast3A_203 = vector.bitcast %get3A_202 : vector<16xi32> to vector<16xf32>
      %get3A_204 = arith.index_cast %scan3A_161 : i32 to index
      %get3A_205 = arith.constant 112 : index
      %get3A_206 = tpu.vector_load %arg18[%get3A_204, %get3A_205] {strides = array<i32>} : memref<125x128xi32, #tpu.memory_space<vmem>>, vector<16xi32>,
      %bitcast3A_207 = vector.bitcast %get3A_206 : vector<16xi32> to vector<16xf32>
      %pack3A_208 = tpu.pack_subelements %bitcast3A_203, %bitcast3A_207 {pack_format = #tpu.pack_format<interleaved>, positions = array<i32: 0, 1>} : vector<16xf32>, vector<16xf32> -> vector<32xbf16>
      %bitcast3A_209 = vector.bitcast %pack3A_208 : vector<32xbf16> to vector<16xi32>
      %swap3A_210 = arith.index_cast %scan3A_161 : i32 to index
      %swap3A_211 = arith.constant 48 : index
      %swap3A_212 = tpu.vector_load %arg19[%swap3A_210, %swap3A_211] {strides = array<i32>} : memref<125x64xi32, #tpu.memory_space<vmem>>, vector<16xi32>,
      tpu.vector_store %arg19[%swap3A_210, %swap3A_211], %bitcast3A_209 {strides = array<i32>} : memref<125x64xi32, #tpu.memory_space<vmem>>, vector<16xi32>,
    }
    %scan3A_43 = arith.constant 125 : i32
    %add3A_44 = arith.constant 125 : i32
    %add3A_45 = arith.addi %mul3A_4, %add3A_44 : i32
    "tpu.region"() ({
      %run_scoped3A = tpu.sem_alloc : memref<!tpu.dma_semaphore, #tpu.memory_space<semaphore_mem>>
      %dma_start3A_161 = arith.constant 0 : i32
      %dma_start3A_162 = tpu.memref_slice %arg8[%add3A_45, %dma_start3A_161] : memref<10000x64xi32, #tpu.memory_space<hbm>> -> memref<125x64xi32, #tpu.memory_space<hbm>>
      %dma_start3A_163 = arith.constant 0 : i32
      %dma_start3A_164 = tpu.memref_slice %arg8[%add3A_45, %dma_start3A_163] : memref<10000x64xi32, #tpu.memory_space<hbm>> -> memref<125x64xi32, #tpu.memory_space<hbm>>
      tpu.enqueue_dma source(%arg19 : memref<125x64xi32, #tpu.memory_space<vmem>>) target(%dma_start3A_164 : memref<125x64xi32, #tpu.memory_space<hbm>>) target_semaphore(%run_scoped3A : memref<!tpu.dma_semaphore, #tpu.memory_space<semaphore_mem>>)
      %dma_wait3A_165 = arith.constant 0 : i32
      %dma_wait3A_166 = tpu.memref_slice %arg8[%add3A_45, %dma_wait3A_165] : memref<10000x64xi32, #tpu.memory_space<hbm>> -> memref<125x64xi32, #tpu.memory_space<hbm>>
      %dma_wait3A_167 = arith.constant 0 : i32
      %dma_wait3A_168 = tpu.memref_slice %arg8[%add3A_45, %dma_wait3A_167] : memref<10000x64xi32, #tpu.memory_space<hbm>> -> memref<125x64xi32, #tpu.memory_space<hbm>>
      tpu.wait_dma2 semaphore(%run_scoped3A : memref<!tpu.dma_semaphore, #tpu.memory_space<semaphore_mem>>) src(%arg19 : memref<125x64xi32, #tpu.memory_space<vmem>>) dst(%dma_wait3A_168 : memref<125x64xi32, #tpu.memory_space<hbm>>)
      tpu.yield
    }) : () -> ()
    %dma_wait3A_46 = arith.constant 0 : i32
    %dma_wait3A_47 = arith.constant 0 : i32
    %dma_wait3A_48 = tpu.memref_slice %arg2[%dma_wait3A_46, %dma_wait3A_47] : memref<10000x128xi32, #tpu.memory_space<hbm>> -> memref<125x128xi32, #tpu.memory_space<hbm>>
    %dma_wait3A_49 = arith.constant 0 : i32
    %dma_wait3A_50 = arith.constant 0 : i32
    %dma_wait3A_51 = tpu.memref_slice %arg2[%dma_wait3A_49, %dma_wait3A_50] : memref<10000x128xi32, #tpu.memory_space<hbm>> -> memref<125x128xi32, #tpu.memory_space<hbm>>
    tpu.wait_dma2 semaphore(%arg29 : memref<!tpu.dma_semaphore, #tpu.memory_space<semaphore_mem>>) src(%dma_wait3A_51 : memref<125x128xi32, #tpu.memory_space<hbm>>) dst(%arg17 : memref<125x128xi32, #tpu.memory_space<vmem>>)
    %add3A_52 = arith.constant 375 : i32
    %add3A_53 = arith.addi %mul3A_4, %add3A_52 : i32
    %dma_start3A_54 = arith.constant 0 : i32
    %dma_start3A_55 = tpu.memref_slice %arg2[%add3A_53, %dma_start3A_54] : memref<10000x128xi32, #tpu.memory_space<hbm>> -> memref<125x128xi32, #tpu.memory_space<hbm>>
    %dma_start3A_56 = arith.constant 0 : i32
    %dma_start3A_57 = tpu.memref_slice %arg2[%add3A_53, %dma_start3A_56] : memref<10000x128xi32, #tpu.memory_space<hbm>> -> memref<125x128xi32, #tpu.memory_space<hbm>>
    tpu.enqueue_dma source(%dma_start3A_57 : memref<125x128xi32, #tpu.memory_space<hbm>>) target(%arg18 : memref<125x128xi32, #tpu.memory_space<vmem>>) target_semaphore(%arg30 : memref<!tpu.dma_semaphore, #tpu.memory_space<semaphore_mem>>)
    %scan3A_58 = arith.constant 0 : i32
    %scan3A_59 = arith.constant 0 : i32
    %scan3A_60 = arith.constant 125 : i32
    %scan3A_61 = arith.addi %scan3A_59, %scan3A_60 : i32
    %scan3A_62 = arith.constant 1 : i32
    scf.for %scan3A_161 = %scan3A_59 to %scan3A_61 step %scan3A_62  : i32 {
      %get3A_162 = arith.index_cast %scan3A_161 : i32 to index
      %get3A_163 = arith.constant 0 : index
      %get3A_164 = tpu.vector_load %arg17[%get3A_162, %get3A_163] {strides = array<i32>} : memref<125x128xi32, #tpu.memory_space<vmem>>, vector<16xi32>,
      %bitcast3A_165 = vector.bitcast %get3A_164 : vector<16xi32> to vector<16xf32>
      %get3A_166 = arith.index_cast %scan3A_161 : i32 to index
      %get3A_167 = arith.constant 16 : index
      %get3A_168 = tpu.vector_load %arg17[%get3A_166, %get3A_167] {strides = array<i32>} : memref<125x128xi32, #tpu.memory_space<vmem>>, vector<16xi32>,
      %bitcast3A_169 = vector.bitcast %get3A_168 : vector<16xi32> to vector<16xf32>
      %pack3A_170 = tpu.pack_subelements %bitcast3A_165, %bitcast3A_169 {pack_format = #tpu.pack_format<interleaved>, positions = array<i32: 0, 1>} : vector<16xf32>, vector<16xf32> -> vector<32xbf16>
      %bitcast3A_171 = vector.bitcast %pack3A_170 : vector<32xbf16> to vector<16xi32>
      %swap3A = arith.index_cast %scan3A_161 : i32 to index
      %swap3A_172 = arith.constant 0 : index
      %swap3A_173 = tpu.vector_load %arg19[%swap3A, %swap3A_172] {strides = array<i32>} : memref<125x64xi32, #tpu.memory_space<vmem>>, vector<16xi32>,
      tpu.vector_store %arg19[%swap3A, %swap3A_172], %bitcast3A_171 {strides = array<i32>} : memref<125x64xi32, #tpu.memory_space<vmem>>, vector<16xi32>,
      %get3A_174 = arith.index_cast %scan3A_161 : i32 to index
      %get3A_175 = arith.constant 32 : index
      %get3A_176 = tpu.vector_load %arg17[%get3A_174, %get3A_175] {strides = array<i32>} : memref<125x128xi32, #tpu.memory_space<vmem>>, vector<16xi32>,
      %bitcast3A_177 = vector.bitcast %get3A_176 : vector<16xi32> to vector<16xf32>
      %get3A_178 = arith.index_cast %scan3A_161 : i32 to index
      %get3A_179 = arith.constant 48 : index
      %get3A_180 = tpu.vector_load %arg17[%get3A_178, %get3A_179] {strides = array<i32>} : memref<125x128xi32, #tpu.memory_space<vmem>>, vector<16xi32>,
      %bitcast3A_181 = vector.bitcast %get3A_180 : vector<16xi32> to vector<16xf32>
      %pack3A_182 = tpu.pack_subelements %bitcast3A_177, %bitcast3A_181 {pack_format = #tpu.pack_format<interleaved>, positions = array<i32: 0, 1>} : vector<16xf32>, vector<16xf32> -> vector<32xbf16>
      %bitcast3A_183 = vector.bitcast %pack3A_182 : vector<32xbf16> to vector<16xi32>
      %swap3A_184 = arith.index_cast %scan3A_161 : i32 to index
      %swap3A_185 = arith.constant 16 : index
      %swap3A_186 = tpu.vector_load %arg19[%swap3A_184, %swap3A_185] {strides = array<i32>} : memref<125x64xi32, #tpu.memory_space<vmem>>, vector<16xi32>,
      tpu.vector_store %arg19[%swap3A_184, %swap3A_185], %bitcast3A_183 {strides = array<i32>} : memref<125x64xi32, #tpu.memory_space<vmem>>, vector<16xi32>,
      %get3A_187 = arith.index_cast %scan3A_161 : i32 to index
      %get3A_188 = arith.constant 64 : index
      %get3A_189 = tpu.vector_load %arg17[%get3A_187, %get3A_188] {strides = array<i32>} : memref<125x128xi32, #tpu.memory_space<vmem>>, vector<16xi32>,
      %bitcast3A_190 = vector.bitcast %get3A_189 : vector<16xi32> to vector<16xf32>
      %get3A_191 = arith.index_cast %scan3A_161 : i32 to index
      %get3A_192 = arith.constant 80 : index
      %get3A_193 = tpu.vector_load %arg17[%get3A_191, %get3A_192] {strides = array<i32>} : memref<125x128xi32, #tpu.memory_space<vmem>>, vector<16xi32>,
      %bitcast3A_194 = vector.bitcast %get3A_193 : vector<16xi32> to vector<16xf32>
      %pack3A_195 = tpu.pack_subelements %bitcast3A_190, %bitcast3A_194 {pack_format = #tpu.pack_format<interleaved>, positions = array<i32: 0, 1>} : vector<16xf32>, vector<16xf32> -> vector<32xbf16>
      %bitcast3A_196 = vector.bitcast %pack3A_195 : vector<32xbf16> to vector<16xi32>
      %swap3A_197 = arith.index_cast %scan3A_161 : i32 to index
      %swap3A_198 = arith.constant 32 : index
      %swap3A_199 = tpu.vector_load %arg19[%swap3A_197, %swap3A_198] {strides = array<i32>} : memref<125x64xi32, #tpu.memory_space<vmem>>, vector<16xi32>,
      tpu.vector_store %arg19[%swap3A_197, %swap3A_198], %bitcast3A_196 {strides = array<i32>} : memref<125x64xi32, #tpu.memory_space<vmem>>, vector<16xi32>,
      %get3A_200 = arith.index_cast %scan3A_161 : i32 to index
      %get3A_201 = arith.constant 96 : index
      %get3A_202 = tpu.vector_load %arg17[%get3A_200, %get3A_201] {strides = array<i32>} : memref<125x128xi32, #tpu.memory_space<vmem>>, vector<16xi32>,
      %bitcast3A_203 = vector.bitcast %get3A_202 : vector<16xi32> to vector<16xf32>
      %get3A_204 = arith.index_cast %scan3A_161 : i32 to index
      %get3A_205 = arith.constant 112 : index
      %get3A_206 = tpu.vector_load %arg17[%get3A_204, %get3A_205] {strides = array<i32>} : memref<125x128xi32, #tpu.memory_space<vmem>>, vector<16xi32>,
      %bitcast3A_207 = vector.bitcast %get3A_206 : vector<16xi32> to vector<16xf32>
      %pack3A_208 = tpu.pack_subelements %bitcast3A_203, %bitcast3A_207 {pack_format = #tpu.pack_format<interleaved>, positions = array<i32: 0, 1>} : vector<16xf32>, vector<16xf32> -> vector<32xbf16>
      %bitcast3A_209 = vector.bitcast %pack3A_208 : vector<32xbf16> to vector<16xi32>
      %swap3A_210 = arith.index_cast %scan3A_161 : i32 to index
      %swap3A_211 = arith.constant 48 : index
      %swap3A_212 = tpu.vector_load %arg19[%swap3A_210, %swap3A_211] {strides = array<i32>} : memref<125x64xi32, #tpu.memory_space<vmem>>, vector<16xi32>,
      tpu.vector_store %arg19[%swap3A_210, %swap3A_211], %bitcast3A_209 {strides = array<i32>} : memref<125x64xi32, #tpu.memory_space<vmem>>, vector<16xi32>,
    }
    %scan3A_63 = arith.constant 125 : i32
    %add3A_64 = arith.constant 250 : i32
    %add3A_65 = arith.addi %mul3A_4, %add3A_64 : i32
    "tpu.region"() ({
      %run_scoped3A = tpu.sem_alloc : memref<!tpu.dma_semaphore, #tpu.memory_space<semaphore_mem>>
      %dma_start3A_161 = arith.constant 0 : i32
      %dma_start3A_162 = tpu.memref_slice %arg8[%add3A_65, %dma_start3A_161] : memref<10000x64xi32, #tpu.memory_space<hbm>> -> memref<125x64xi32, #tpu.memory_space<hbm>>
      %dma_start3A_163 = arith.constant 0 : i32
      %dma_start3A_164 = tpu.memref_slice %arg8[%add3A_65, %dma_start3A_163] : memref<10000x64xi32, #tpu.memory_space<hbm>> -> memref<125x64xi32, #tpu.memory_space<hbm>>
      tpu.enqueue_dma source(%arg19 : memref<125x64xi32, #tpu.memory_space<vmem>>) target(%dma_start3A_164 : memref<125x64xi32, #tpu.memory_space<hbm>>) target_semaphore(%run_scoped3A : memref<!tpu.dma_semaphore, #tpu.memory_space<semaphore_mem>>)
      %dma_wait3A_165 = arith.constant 0 : i32
      %dma_wait3A_166 = tpu.memref_slice %arg8[%add3A_65, %dma_wait3A_165] : memref<10000x64xi32, #tpu.memory_space<hbm>> -> memref<125x64xi32, #tpu.memory_space<hbm>>
      %dma_wait3A_167 = arith.constant 0 : i32
      %dma_wait3A_168 = tpu.memref_slice %arg8[%add3A_65, %dma_wait3A_167] : memref<10000x64xi32, #tpu.memory_space<hbm>> -> memref<125x64xi32, #tpu.memory_space<hbm>>
      tpu.wait_dma2 semaphore(%run_scoped3A : memref<!tpu.dma_semaphore, #tpu.memory_space<semaphore_mem>>) src(%arg19 : memref<125x64xi32, #tpu.memory_space<vmem>>) dst(%dma_wait3A_168 : memref<125x64xi32, #tpu.memory_space<hbm>>)
      tpu.yield
    }) : () -> ()
    %dma_wait3A_66 = arith.constant 0 : i32
    %dma_wait3A_67 = arith.constant 0 : i32
    %dma_wait3A_68 = tpu.memref_slice %arg2[%dma_wait3A_66, %dma_wait3A_67] : memref<10000x128xi32, #tpu.memory_space<hbm>> -> memref<125x128xi32, #tpu.memory_space<hbm>>
    %dma_wait3A_69 = arith.constant 0 : i32
    %dma_wait3A_70 = arith.constant 0 : i32
    %dma_wait3A_71 = tpu.memref_slice %arg2[%dma_wait3A_69, %dma_wait3A_70] : memref<10000x128xi32, #tpu.memory_space<hbm>> -> memref<125x128xi32, #tpu.memory_space<hbm>>
    tpu.wait_dma2 semaphore(%arg30 : memref<!tpu.dma_semaphore, #tpu.memory_space<semaphore_mem>>) src(%dma_wait3A_71 : memref<125x128xi32, #tpu.memory_space<hbm>>) dst(%arg18 : memref<125x128xi32, #tpu.memory_space<vmem>>)
    %add3A_72 = arith.constant 500 : i32
    %add3A_73 = arith.addi %mul3A_4, %add3A_72 : i32
    %dma_start3A_74 = arith.constant 0 : i32
    %dma_start3A_75 = tpu.memref_slice %arg2[%add3A_73, %dma_start3A_74] : memref<10000x128xi32, #tpu.memory_space<hbm>> -> memref<125x128xi32, #tpu.memory_space<hbm>>
    %dma_start3A_76 = arith.constant 0 : i32
    %dma_start3A_77 = tpu.memref_slice %arg2[%add3A_73, %dma_start3A_76] : memref<10000x128xi32, #tpu.memory_space<hbm>> -> memref<125x128xi32, #tpu.memory_space<hbm>>
    tpu.enqueue_dma source(%dma_start3A_77 : memref<125x128xi32, #tpu.memory_space<hbm>>) target(%arg17 : memref<125x128xi32, #tpu.memory_space<vmem>>) target_semaphore(%arg29 : memref<!tpu.dma_semaphore, #tpu.memory_space<semaphore_mem>>)
    %scan3A_78 = arith.constant 0 : i32
    %scan3A_79 = arith.constant 0 : i32
    %scan3A_80 = arith.constant 125 : i32
    %scan3A_81 = arith.addi %scan3A_79, %scan3A_80 : i32
    %scan3A_82 = arith.constant 1 : i32
    scf.for %scan3A_161 = %scan3A_79 to %scan3A_81 step %scan3A_82  : i32 {
      %get3A_162 = arith.index_cast %scan3A_161 : i32 to index
      %get3A_163 = arith.constant 0 : index
      %get3A_164 = tpu.vector_load %arg18[%get3A_162, %get3A_163] {strides = array<i32>} : memref<125x128xi32, #tpu.memory_space<vmem>>, vector<16xi32>,
      %bitcast3A_165 = vector.bitcast %get3A_164 : vector<16xi32> to vector<16xf32>
      %get3A_166 = arith.index_cast %scan3A_161 : i32 to index
      %get3A_167 = arith.constant 16 : index
      %get3A_168 = tpu.vector_load %arg18[%get3A_166, %get3A_167] {strides = array<i32>} : memref<125x128xi32, #tpu.memory_space<vmem>>, vector<16xi32>,
      %bitcast3A_169 = vector.bitcast %get3A_168 : vector<16xi32> to vector<16xf32>
      %pack3A_170 = tpu.pack_subelements %bitcast3A_165, %bitcast3A_169 {pack_format = #tpu.pack_format<interleaved>, positions = array<i32: 0, 1>} : vector<16xf32>, vector<16xf32> -> vector<32xbf16>
      %bitcast3A_171 = vector.bitcast %pack3A_170 : vector<32xbf16> to vector<16xi32>
      %swap3A = arith.index_cast %scan3A_161 : i32 to index
      %swap3A_172 = arith.constant 0 : index
      %swap3A_173 = tpu.vector_load %arg19[%swap3A, %swap3A_172] {strides = array<i32>} : memref<125x64xi32, #tpu.memory_space<vmem>>, vector<16xi32>,
      tpu.vector_store %arg19[%swap3A, %swap3A_172], %bitcast3A_171 {strides = array<i32>} : memref<125x64xi32, #tpu.memory_space<vmem>>, vector<16xi32>,
      %get3A_174 = arith.index_cast %scan3A_161 : i32 to index
      %get3A_175 = arith.constant 32 : index
      %get3A_176 = tpu.vector_load %arg18[%get3A_174, %get3A_175] {strides = array<i32>} : memref<125x128xi32, #tpu.memory_space<vmem>>, vector<16xi32>,
      %bitcast3A_177 = vector.bitcast %get3A_176 : vector<16xi32> to vector<16xf32>
      %get3A_178 = arith.index_cast %scan3A_161 : i32 to index
      %get3A_179 = arith.constant 48 : index
      %get3A_180 = tpu.vector_load %arg18[%get3A_178, %get3A_179] {strides = array<i32>} : memref<125x128xi32, #tpu.memory_space<vmem>>, vector<16xi32>,
      %bitcast3A_181 = vector.bitcast %get3A_180 : vector<16xi32> to vector<16xf32>
      %pack3A_182 = tpu.pack_subelements %bitcast3A_177, %bitcast3A_181 {pack_format = #tpu.pack_format<interleaved>, positions = array<i32: 0, 1>} : vector<16xf32>, vector<16xf32> -> vector<32xbf16>
      %bitcast3A_183 = vector.bitcast %pack3A_182 : vector<32xbf16> to vector<16xi32>
      %swap3A_184 = arith.index_cast %scan3A_161 : i32 to index
      %swap3A_185 = arith.constant 16 : index
      %swap3A_186 = tpu.vector_load %arg19[%swap3A_184, %swap3A_185] {strides = array<i32>} : memref<125x64xi32, #tpu.memory_space<vmem>>, vector<16xi32>,
      tpu.vector_store %arg19[%swap3A_184, %swap3A_185], %bitcast3A_183 {strides = array<i32>} : memref<125x64xi32, #tpu.memory_space<vmem>>, vector<16xi32>,
      %get3A_187 = arith.index_cast %scan3A_161 : i32 to index
      %get3A_188 = arith.constant 64 : index
      %get3A_189 = tpu.vector_load %arg18[%get3A_187, %get3A_188] {strides = array<i32>} : memref<125x128xi32, #tpu.memory_space<vmem>>, vector<16xi32>,
      %bitcast3A_190 = vector.bitcast %get3A_189 : vector<16xi32> to vector<16xf32>
      %get3A_191 = arith.index_cast %scan3A_161 : i32 to index
      %get3A_192 = arith.constant 80 : index
      %get3A_193 = tpu.vector_load %arg18[%get3A_191, %get3A_192] {strides = array<i32>} : memref<125x128xi32, #tpu.memory_space<vmem>>, vector<16xi32>,
      %bitcast3A_194 = vector.bitcast %get3A_193 : vector<16xi32> to vector<16xf32>
      %pack3A_195 = tpu.pack_subelements %bitcast3A_190, %bitcast3A_194 {pack_format = #tpu.pack_format<interleaved>, positions = array<i32: 0, 1>} : vector<16xf32>, vector<16xf32> -> vector<32xbf16>
      %bitcast3A_196 = vector.bitcast %pack3A_195 : vector<32xbf16> to vector<16xi32>
      %swap3A_197 = arith.index_cast %scan3A_161 : i32 to index
      %swap3A_198 = arith.constant 32 : index
      %swap3A_199 = tpu.vector_load %arg19[%swap3A_197, %swap3A_198] {strides = array<i32>} : memref<125x64xi32, #tpu.memory_space<vmem>>, vector<16xi32>,
      tpu.vector_store %arg19[%swap3A_197, %swap3A_198], %bitcast3A_196 {strides = array<i32>} : memref<125x64xi32, #tpu.memory_space<vmem>>, vector<16xi32>,
      %get3A_200 = arith.index_cast %scan3A_161 : i32 to index
      %get3A_201 = arith.constant 96 : index
      %get3A_202 = tpu.vector_load %arg18[%get3A_200, %get3A_201] {strides = array<i32>} : memref<125x128xi32, #tpu.memory_space<vmem>>, vector<16xi32>,
      %bitcast3A_203 = vector.bitcast %get3A_202 : vector<16xi32> to vector<16xf32>
      %get3A_204 = arith.index_cast %scan3A_161 : i32 to index
      %get3A_205 = arith.constant 112 : index
      %get3A_206 = tpu.vector_load %arg18[%get3A_204, %get3A_205] {strides = array<i32>} : memref<125x128xi32, #tpu.memory_space<vmem>>, vector<16xi32>,
      %bitcast3A_207 = vector.bitcast %get3A_206 : vector<16xi32> to vector<16xf32>
      %pack3A_208 = tpu.pack_subelements %bitcast3A_203, %bitcast3A_207 {pack_format = #tpu.pack_format<interleaved>, positions = array<i32: 0, 1>} : vector<16xf32>, vector<16xf32> -> vector<32xbf16>
      %bitcast3A_209 = vector.bitcast %pack3A_208 : vector<32xbf16> to vector<16xi32>
      %swap3A_210 = arith.index_cast %scan3A_161 : i32 to index
      %swap3A_211 = arith.constant 48 : index
      %swap3A_212 = tpu.vector_load %arg19[%swap3A_210, %swap3A_211] {strides = array<i32>} : memref<125x64xi32, #tpu.memory_space<vmem>>, vector<16xi32>,
      tpu.vector_store %arg19[%swap3A_210, %swap3A_211], %bitcast3A_209 {strides = array<i32>} : memref<125x64xi32, #tpu.memory_space<vmem>>, vector<16xi32>,
    }
    %scan3A_83 = arith.constant 125 : i32
    %add3A_84 = arith.constant 375 : i32
    %add3A_85 = arith.addi %mul3A_4, %add3A_84 : i32
    "tpu.region"() ({
      %run_scoped3A = tpu.sem_alloc : memref<!tpu.dma_semaphore, #tpu.memory_space<semaphore_mem>>
      %dma_start3A_161 = arith.constant 0 : i32
      %dma_start3A_162 = tpu.memref_slice %arg8[%add3A_85, %dma_start3A_161] : memref<10000x64xi32, #tpu.memory_space<hbm>> -> memref<125x64xi32, #tpu.memory_space<hbm>>
      %dma_start3A_163 = arith.constant 0 : i32
      %dma_start3A_164 = tpu.memref_slice %arg8[%add3A_85, %dma_start3A_163] : memref<10000x64xi32, #tpu.memory_space<hbm>> -> memref<125x64xi32, #tpu.memory_space<hbm>>
      tpu.enqueue_dma source(%arg19 : memref<125x64xi32, #tpu.memory_space<vmem>>) target(%dma_start3A_164 : memref<125x64xi32, #tpu.memory_space<hbm>>) target_semaphore(%run_scoped3A : memref<!tpu.dma_semaphore, #tpu.memory_space<semaphore_mem>>)
      %dma_wait3A_165 = arith.constant 0 : i32
      %dma_wait3A_166 = tpu.memref_slice %arg8[%add3A_85, %dma_wait3A_165] : memref<10000x64xi32, #tpu.memory_space<hbm>> -> memref<125x64xi32, #tpu.memory_space<hbm>>
      %dma_wait3A_167 = arith.constant 0 : i32
      %dma_wait3A_168 = tpu.memref_slice %arg8[%add3A_85, %dma_wait3A_167] : memref<10000x64xi32, #tpu.memory_space<hbm>> -> memref<125x64xi32, #tpu.memory_space<hbm>>
      tpu.wait_dma2 semaphore(%run_scoped3A : memref<!tpu.dma_semaphore, #tpu.memory_space<semaphore_mem>>) src(%arg19 : memref<125x64xi32, #tpu.memory_space<vmem>>) dst(%dma_wait3A_168 : memref<125x64xi32, #tpu.memory_space<hbm>>)
      tpu.yield
    }) : () -> ()
    %dma_wait3A_86 = arith.constant 0 : i32
    %dma_wait3A_87 = arith.constant 0 : i32
    %dma_wait3A_88 = tpu.memref_slice %arg2[%dma_wait3A_86, %dma_wait3A_87] : memref<10000x128xi32, #tpu.memory_space<hbm>> -> memref<125x128xi32, #tpu.memory_space<hbm>>
    %dma_wait3A_89 = arith.constant 0 : i32
    %dma_wait3A_90 = arith.constant 0 : i32
    %dma_wait3A_91 = tpu.memref_slice %arg2[%dma_wait3A_89, %dma_wait3A_90] : memref<10000x128xi32, #tpu.memory_space<hbm>> -> memref<125x128xi32, #tpu.memory_space<hbm>>
    tpu.wait_dma2 semaphore(%arg29 : memref<!tpu.dma_semaphore, #tpu.memory_space<semaphore_mem>>) src(%dma_wait3A_91 : memref<125x128xi32, #tpu.memory_space<hbm>>) dst(%arg17 : memref<125x128xi32, #tpu.memory_space<vmem>>)
    %scan3A_92 = arith.constant 0 : i32
    %scan3A_93 = arith.constant 0 : i32
    %scan3A_94 = arith.constant 125 : i32
    %scan3A_95 = arith.addi %scan3A_93, %scan3A_94 : i32
    %scan3A_96 = arith.constant 1 : i32
    scf.for %scan3A_161 = %scan3A_93 to %scan3A_95 step %scan3A_96  : i32 {
      %get3A_162 = arith.index_cast %scan3A_161 : i32 to index
      %get3A_163 = arith.constant 0 : index
      %get3A_164 = tpu.vector_load %arg17[%get3A_162, %get3A_163] {strides = array<i32>} : memref<125x128xi32, #tpu.memory_space<vmem>>, vector<16xi32>,
      %bitcast3A_165 = vector.bitcast %get3A_164 : vector<16xi32> to vector<16xf32>
      %get3A_166 = arith.index_cast %scan3A_161 : i32 to index
      %get3A_167 = arith.constant 16 : index
      %get3A_168 = tpu.vector_load %arg17[%get3A_166, %get3A_167] {strides = array<i32>} : memref<125x128xi32, #tpu.memory_space<vmem>>, vector<16xi32>,
      %bitcast3A_169 = vector.bitcast %get3A_168 : vector<16xi32> to vector<16xf32>
      %pack3A_170 = tpu.pack_subelements %bitcast3A_165, %bitcast3A_169 {pack_format = #tpu.pack_format<interleaved>, positions = array<i32: 0, 1>} : vector<16xf32>, vector<16xf32> -> vector<32xbf16>
      %bitcast3A_171 = vector.bitcast %pack3A_170 : vector<32xbf16> to vector<16xi32>
      %swap3A = arith.index_cast %scan3A_161 : i32 to index
      %swap3A_172 = arith.constant 0 : index
      %swap3A_173 = tpu.vector_load %arg19[%swap3A, %swap3A_172] {strides = array<i32>} : memref<125x64xi32, #tpu.memory_space<vmem>>, vector<16xi32>,
      tpu.vector_store %arg19[%swap3A, %swap3A_172], %bitcast3A_171 {strides = array<i32>} : memref<125x64xi32, #tpu.memory_space<vmem>>, vector<16xi32>,
      %get3A_174 = arith.index_cast %scan3A_161 : i32 to index
      %get3A_175 = arith.constant 32 : index
      %get3A_176 = tpu.vector_load %arg17[%get3A_174, %get3A_175] {strides = array<i32>} : memref<125x128xi32, #tpu.memory_space<vmem>>, vector<16xi32>,
      %bitcast3A_177 = vector.bitcast %get3A_176 : vector<16xi32> to vector<16xf32>
      %get3A_178 = arith.index_cast %scan3A_161 : i32 to index
      %get3A_179 = arith.constant 48 : index
      %get3A_180 = tpu.vector_load %arg17[%get3A_178, %get3A_179] {strides = array<i32>} : memref<125x128xi32, #tpu.memory_space<vmem>>, vector<16xi32>,
      %bitcast3A_181 = vector.bitcast %get3A_180 : vector<16xi32> to vector<16xf32>
      %pack3A_182 = tpu.pack_subelements %bitcast3A_177, %bitcast3A_181 {pack_format = #tpu.pack_format<interleaved>, positions = array<i32: 0, 1>} : vector<16xf32>, vector<16xf32> -> vector<32xbf16>
      %bitcast3A_183 = vector.bitcast %pack3A_182 : vector<32xbf16> to vector<16xi32>
      %swap3A_184 = arith.index_cast %scan3A_161 : i32 to index
      %swap3A_185 = arith.constant 16 : index
      %swap3A_186 = tpu.vector_load %arg19[%swap3A_184, %swap3A_185] {strides = array<i32>} : memref<125x64xi32, #tpu.memory_space<vmem>>, vector<16xi32>,
      tpu.vector_store %arg19[%swap3A_184, %swap3A_185], %bitcast3A_183 {strides = array<i32>} : memref<125x64xi32, #tpu.memory_space<vmem>>, vector<16xi32>,
      %get3A_187 = arith.index_cast %scan3A_161 : i32 to index
      %get3A_188 = arith.constant 64 : index
      %get3A_189 = tpu.vector_load %arg17[%get3A_187, %get3A_188] {strides = array<i32>} : memref<125x128xi32, #tpu.memory_space<vmem>>, vector<16xi32>,
      %bitcast3A_190 = vector.bitcast %get3A_189 : vector<16xi32> to vector<16xf32>
      %get3A_191 = arith.index_cast %scan3A_161 : i32 to index
      %get3A_192 = arith.constant 80 : index
      %get3A_193 = tpu.vector_load %arg17[%get3A_191, %get3A_192] {strides = array<i32>} : memref<125x128xi32, #tpu.memory_space<vmem>>, vector<16xi32>,
      %bitcast3A_194 = vector.bitcast %get3A_193 : vector<16xi32> to vector<16xf32>
      %pack3A_195 = tpu.pack_subelements %bitcast3A_190, %bitcast3A_194 {pack_format = #tpu.pack_format<interleaved>, positions = array<i32: 0, 1>} : vector<16xf32>, vector<16xf32> -> vector<32xbf16>
      %bitcast3A_196 = vector.bitcast %pack3A_195 : vector<32xbf16> to vector<16xi32>
      %swap3A_197 = arith.index_cast %scan3A_161 : i32 to index
      %swap3A_198 = arith.constant 32 : index
      %swap3A_199 = tpu.vector_load %arg19[%swap3A_197, %swap3A_198] {strides = array<i32>} : memref<125x64xi32, #tpu.memory_space<vmem>>, vector<16xi32>,
      tpu.vector_store %arg19[%swap3A_197, %swap3A_198], %bitcast3A_196 {strides = array<i32>} : memref<125x64xi32, #tpu.memory_space<vmem>>, vector<16xi32>,
      %get3A_200 = arith.index_cast %scan3A_161 : i32 to index
      %get3A_201 = arith.constant 96 : index
      %get3A_202 = tpu.vector_load %arg17[%get3A_200, %get3A_201] {strides = array<i32>} : memref<125x128xi32, #tpu.memory_space<vmem>>, vector<16xi32>,
      %bitcast3A_203 = vector.bitcast %get3A_202 : vector<16xi32> to vector<16xf32>
      %get3A_204 = arith.index_cast %scan3A_161 : i32 to index
      %get3A_205 = arith.constant 112 : index
      %get3A_206 = tpu.vector_load %arg17[%get3A_204, %get3A_205] {strides = array<i32>} : memref<125x128xi32, #tpu.memory_space<vmem>>, vector<16xi32>,
      %bitcast3A_207 = vector.bitcast %get3A_206 : vector<16xi32> to vector<16xf32>
      %pack3A_208 = tpu.pack_subelements %bitcast3A_203, %bitcast3A_207 {pack_format = #tpu.pack_format<interleaved>, positions = array<i32: 0, 1>} : vector<16xf32>, vector<16xf32> -> vector<32xbf16>
      %bitcast3A_209 = vector.bitcast %pack3A_208 : vector<32xbf16> to vector<16xi32>
      %swap3A_210 = arith.index_cast %scan3A_161 : i32 to index
      %swap3A_211 = arith.constant 48 : index
      %swap3A_212 = tpu.vector_load %arg19[%swap3A_210, %swap3A_211] {strides = array<i32>} : memref<125x64xi32, #tpu.memory_space<vmem>>, vector<16xi32>,
      tpu.vector_store %arg19[%swap3A_210, %swap3A_211], %bitcast3A_209 {strides = array<i32>} : memref<125x64xi32, #tpu.memory_space<vmem>>, vector<16xi32>,
    }
    %scan3A_97 = arith.constant 125 : i32
    %add3A_98 = arith.constant 500 : i32
    %add3A_99 = arith.addi %mul3A_4, %add3A_98 : i32
    "tpu.region"() ({
      %run_scoped3A = tpu.sem_alloc : memref<!tpu.dma_semaphore, #tpu.memory_space<semaphore_mem>>
      %dma_start3A_161 = arith.constant 0 : i32
      %dma_start3A_162 = tpu.memref_slice %arg8[%add3A_99, %dma_start3A_161] : memref<10000x64xi32, #tpu.memory_space<hbm>> -> memref<125x64xi32, #tpu.memory_space<hbm>>
      %dma_start3A_163 = arith.constant 0 : i32
      %dma_start3A_164 = tpu.memref_slice %arg8[%add3A_99, %dma_start3A_163] : memref<10000x64xi32, #tpu.memory_space<hbm>> -> memref<125x64xi32, #tpu.memory_space<hbm>>
      tpu.enqueue_dma source(%arg19 : memref<125x64xi32, #tpu.memory_space<vmem>>) target(%dma_start3A_164 : memref<125x64xi32, #tpu.memory_space<hbm>>) target_semaphore(%run_scoped3A : memref<!tpu.dma_semaphore, #tpu.memory_space<semaphore_mem>>)
      %dma_wait3A_165 = arith.constant 0 : i32
      %dma_wait3A_166 = tpu.memref_slice %arg8[%add3A_99, %dma_wait3A_165] : memref<10000x64xi32, #tpu.memory_space<hbm>> -> memref<125x64xi32, #tpu.memory_space<hbm>>
      %dma_wait3A_167 = arith.constant 0 : i32
      %dma_wait3A_168 = tpu.memref_slice %arg8[%add3A_99, %dma_wait3A_167] : memref<10000x64xi32, #tpu.memory_space<hbm>> -> memref<125x64xi32, #tpu.memory_space<hbm>>
      tpu.wait_dma2 semaphore(%run_scoped3A : memref<!tpu.dma_semaphore, #tpu.memory_space<semaphore_mem>>) src(%arg19 : memref<125x64xi32, #tpu.memory_space<vmem>>) dst(%dma_wait3A_168 : memref<125x64xi32, #tpu.memory_space<hbm>>)
      tpu.yield
    }) : () -> ()
    "tpu.region"() ({
      %run_scoped3A = tpu.sem_alloc : memref<!tpu.dma_semaphore, #tpu.memory_space<semaphore_mem>>
      tpu.enqueue_dma source(%arg5 : memref<128xi32, #tpu.memory_space<hbm>>) target(%arg20 : memref<128xi32, #tpu.memory_space<vmem>>) target_semaphore(%run_scoped3A : memref<!tpu.dma_semaphore, #tpu.memory_space<semaphore_mem>>)
      tpu.wait_dma2 semaphore(%run_scoped3A : memref<!tpu.dma_semaphore, #tpu.memory_space<semaphore_mem>>) src(%arg5 : memref<128xi32, #tpu.memory_space<hbm>>) dst(%arg20 : memref<128xi32, #tpu.memory_space<vmem>>)
      tpu.yield
    }) : () -> ()
    "tpu.region"() ({
      %run_scoped3A = tpu.sem_alloc : memref<!tpu.dma_semaphore, #tpu.memory_space<semaphore_mem>>
      tpu.enqueue_dma source(%arg6 : memref<16xf32, #tpu.memory_space<hbm>>) target(%arg21 : memref<16xf32, #tpu.memory_space<vmem>>) target_semaphore(%run_scoped3A : memref<!tpu.dma_semaphore, #tpu.memory_space<semaphore_mem>>)
      tpu.wait_dma2 semaphore(%run_scoped3A : memref<!tpu.dma_semaphore, #tpu.memory_space<semaphore_mem>>) src(%arg6 : memref<16xf32, #tpu.memory_space<hbm>>) dst(%arg21 : memref<16xf32, #tpu.memory_space<vmem>>)
      tpu.yield
    }) : () -> ()
    %get3A = arith.constant 0 : index
    %get3A_100 = tpu.vector_load %arg20[%get3A] {strides = array<i32>} : memref<128xi32, #tpu.memory_space<vmem>>, vector<16xi32>,
    %bitcast3A = vector.bitcast %get3A_100 : vector<16xi32> to vector<16xf32>
    %get3A_101 = arith.constant 16 : index
    %get3A_102 = tpu.vector_load %arg20[%get3A_101] {strides = array<i32>} : memref<128xi32, #tpu.memory_space<vmem>>, vector<16xi32>,
    %bitcast3A_103 = vector.bitcast %get3A_102 : vector<16xi32> to vector<16xf32>
    %pack3A = tpu.pack_subelements %bitcast3A, %bitcast3A_103 {pack_format = #tpu.pack_format<interleaved>, positions = array<i32: 0, 1>} : vector<16xf32>, vector<16xf32> -> vector<32xbf16>
    %get3A_104 = arith.constant 32 : index
    %get3A_105 = tpu.vector_load %arg20[%get3A_104] {strides = array<i32>} : memref<128xi32, #tpu.memory_space<vmem>>, vector<16xi32>,
    %bitcast3A_106 = vector.bitcast %get3A_105 : vector<16xi32> to vector<16xf32>
    %get3A_107 = arith.constant 48 : index
    %get3A_108 = tpu.vector_load %arg20[%get3A_107] {strides = array<i32>} : memref<128xi32, #tpu.memory_space<vmem>>, vector<16xi32>,
    %bitcast3A_109 = vector.bitcast %get3A_108 : vector<16xi32> to vector<16xf32>
    %pack3A_110 = tpu.pack_subelements %bitcast3A_106, %bitcast3A_109 {pack_format = #tpu.pack_format<interleaved>, positions = array<i32: 0, 1>} : vector<16xf32>, vector<16xf32> -> vector<32xbf16>
    %get3A_111 = arith.constant 64 : index
    %get3A_112 = tpu.vector_load %arg20[%get3A_111] {strides = array<i32>} : memref<128xi32, #tpu.memory_space<vmem>>, vector<16xi32>,
    %bitcast3A_113 = vector.bitcast %get3A_112 : vector<16xi32> to vector<16xf32>
    %get3A_114 = arith.constant 80 : index
    %get3A_115 = tpu.vector_load %arg20[%get3A_114] {strides = array<i32>} : memref<128xi32, #tpu.memory_space<vmem>>, vector<16xi32>,
    %bitcast3A_116 = vector.bitcast %get3A_115 : vector<16xi32> to vector<16xf32>
    %pack3A_117 = tpu.pack_subelements %bitcast3A_113, %bitcast3A_116 {pack_format = #tpu.pack_format<interleaved>, positions = array<i32: 0, 1>} : vector<16xf32>, vector<16xf32> -> vector<32xbf16>
    %get3A_118 = arith.constant 96 : index
    %get3A_119 = tpu.vector_load %arg20[%get3A_118] {strides = array<i32>} : memref<128xi32, #tpu.memory_space<vmem>>, vector<16xi32>,
    %bitcast3A_120 = vector.bitcast %get3A_119 : vector<16xi32> to vector<16xf32>
    %get3A_121 = arith.constant 112 : index
    %get3A_122 = tpu.vector_load %arg20[%get3A_121] {strides = array<i32>} : memref<128xi32, #tpu.memory_space<vmem>>, vector<16xi32>,
    %bitcast3A_123 = vector.bitcast %get3A_122 : vector<16xi32> to vector<16xf32>
    %pack3A_124 = tpu.pack_subelements %bitcast3A_120, %bitcast3A_123 {pack_format = #tpu.pack_format<interleaved>, positions = array<i32: 0, 1>} : vector<16xf32>, vector<16xf32> -> vector<32xbf16>
    %get3A_125 = arith.constant 0 : index
    %get3A_126 = tpu.vector_load %arg21[%get3A_125] {strides = array<i32>} : memref<16xf32, #tpu.memory_space<vmem>>, vector<16xf32>,
    "tpu.region"() ({
      %run_scoped3A = tpu.sem_alloc : memref<!tpu.dma_semaphore, #tpu.memory_space<semaphore_mem>>
      %dma_start3A_161 = tpu.memref_slice %arg3[%multiple_of3A] : memref<320000xi32, #tpu.memory_space<hbm>> -> memref<10000xi32, #tpu.memory_space<hbm>>
      %dma_start3A_162 = tpu.memref_slice %arg3[%multiple_of3A] : memref<320000xi32, #tpu.memory_space<hbm>> -> memref<10000xi32, #tpu.memory_space<hbm>>
      tpu.enqueue_dma source(%dma_start3A_162 : memref<10000xi32, #tpu.memory_space<hbm>>) target(%arg9 : memref<10000xi32, #tpu.memory_space<vmem>>) target_semaphore(%run_scoped3A : memref<!tpu.dma_semaphore, #tpu.memory_space<semaphore_mem>>)
      %dma_wait3A_163 = tpu.memref_slice %arg3[%multiple_of3A] : memref<320000xi32, #tpu.memory_space<hbm>> -> memref<10000xi32, #tpu.memory_space<hbm>>
      %dma_wait3A_164 = tpu.memref_slice %arg3[%multiple_of3A] : memref<320000xi32, #tpu.memory_space<hbm>> -> memref<10000xi32, #tpu.memory_space<hbm>>
      tpu.wait_dma2 semaphore(%run_scoped3A : memref<!tpu.dma_semaphore, #tpu.memory_space<semaphore_mem>>) src(%dma_wait3A_164 : memref<10000xi32, #tpu.memory_space<hbm>>) dst(%arg9 : memref<10000xi32, #tpu.memory_space<vmem>>)
      tpu.yield
    }) : () -> ()
    "tpu.region"() ({
      %run_scoped3A = tpu.sem_alloc : memref<!tpu.dma_semaphore, #tpu.memory_space<semaphore_mem>>
      %dma_start3A_161 = tpu.memref_slice %arg4[%multiple_of3A] : memref<320000xi32, #tpu.memory_space<hbm>> -> memref<10000xi32, #tpu.memory_space<hbm>>
      %dma_start3A_162 = tpu.memref_slice %arg4[%multiple_of3A] : memref<320000xi32, #tpu.memory_space<hbm>> -> memref<10000xi32, #tpu.memory_space<hbm>>
      tpu.enqueue_dma source(%dma_start3A_162 : memref<10000xi32, #tpu.memory_space<hbm>>) target(%arg10 : memref<10000xi32, #tpu.memory_space<vmem>>) target_semaphore(%run_scoped3A : memref<!tpu.dma_semaphore, #tpu.memory_space<semaphore_mem>>)
      %dma_wait3A_163 = tpu.memref_slice %arg4[%multiple_of3A] : memref<320000xi32, #tpu.memory_space<hbm>> -> memref<10000xi32, #tpu.memory_space<hbm>>
      %dma_wait3A_164 = tpu.memref_slice %arg4[%multiple_of3A] : memref<320000xi32, #tpu.memory_space<hbm>> -> memref<10000xi32, #tpu.memory_space<hbm>>
      tpu.wait_dma2 semaphore(%run_scoped3A : memref<!tpu.dma_semaphore, #tpu.memory_space<semaphore_mem>>) src(%dma_wait3A_164 : memref<10000xi32, #tpu.memory_space<hbm>>) dst(%arg10 : memref<10000xi32, #tpu.memory_space<vmem>>)
      tpu.yield
    }) : () -> ()
    %barrier3A = arith.constant 0 : index
    tpu.barrier barrier_id(%barrier3A)
    %dma_start3A_127 = arith.constant 0 : i32
    %dma_start3A_128 = tpu.memref_slice %arg9[%dma_start3A_127] : memref<10000xi32, #tpu.memory_space<vmem>> -> memref<200xi32, #tpu.memory_space<vmem>>
    %dma_start3A_129 = arith.constant 0 : i32
    %dma_start3A_130 = arith.constant 0 : i32
    %dma_start3A_131 = tpu.memref_slice %arg8[%dma_start3A_129, %dma_start3A_130] : memref<10000x64xi32, #tpu.memory_space<hbm>> -> memref<10000x64xi32, #tpu.memory_space<hbm>>
    tpu.enqueue_indirect_dma source(%dma_start3A_131 : memref<10000x64xi32, #tpu.memory_space<hbm>>) target(%arg11 : memref<200x64xi32, #tpu.memory_space<vmem>>) offsets(%dma_start3A_128 : memref<200xi32, #tpu.memory_space<vmem>>) semaphore(%arg23 : memref<!tpu.dma_semaphore, #tpu.memory_space<semaphore_mem>>)
    %dma_start3A_132 = arith.constant 0 : i32
    %dma_start3A_133 = tpu.memref_slice %arg10[%dma_start3A_132] : memref<10000xi32, #tpu.memory_space<vmem>> -> memref<200xi32, #tpu.memory_space<vmem>>
    %dma_start3A_134 = arith.constant 0 : i32
    %dma_start3A_135 = arith.constant 0 : i32
    %dma_start3A_136 = tpu.memref_slice %arg8[%dma_start3A_134, %dma_start3A_135] : memref<10000x64xi32, #tpu.memory_space<hbm>> -> memref<10000x64xi32, #tpu.memory_space<hbm>>
    tpu.enqueue_indirect_dma source(%dma_start3A_136 : memref<10000x64xi32, #tpu.memory_space<hbm>>) target(%arg12 : memref<200x64xi32, #tpu.memory_space<vmem>>) offsets(%dma_start3A_133 : memref<200xi32, #tpu.memory_space<vmem>>) semaphore(%arg24 : memref<!tpu.dma_semaphore, #tpu.memory_space<semaphore_mem>>)
    %dma_start3A_137 = arith.constant 200 : i32
    %dma_start3A_138 = tpu.memref_slice %arg9[%dma_start3A_137] : memref<10000xi32, #tpu.memory_space<vmem>> -> memref<200xi32, #tpu.memory_space<vmem>>
    %dma_start3A_139 = arith.constant 0 : i32
    %dma_start3A_140 = arith.constant 0 : i32
    %dma_start3A_141 = tpu.memref_slice %arg8[%dma_start3A_139, %dma_start3A_140] : memref<10000x64xi32, #tpu.memory_space<hbm>> -> memref<10000x64xi32, #tpu.memory_space<hbm>>
    tpu.enqueue_indirect_dma source(%dma_start3A_141 : memref<10000x64xi32, #tpu.memory_space<hbm>>) target(%arg13 : memref<200x64xi32, #tpu.memory_space<vmem>>) offsets(%dma_start3A_138 : memref<200xi32, #tpu.memory_space<vmem>>) semaphore(%arg25 : memref<!tpu.dma_semaphore, #tpu.memory_space<semaphore_mem>>)
    %dma_start3A_142 = arith.constant 200 : i32
    %dma_start3A_143 = tpu.memref_slice %arg10[%dma_start3A_142] : memref<10000xi32, #tpu.memory_space<vmem>> -> memref<200xi32, #tpu.memory_space<vmem>>
    %dma_start3A_144 = arith.constant 0 : i32
    %dma_start3A_145 = arith.constant 0 : i32
    %dma_start3A_146 = tpu.memref_slice %arg8[%dma_start3A_144, %dma_start3A_145] : memref<10000x64xi32, #tpu.memory_space<hbm>> -> memref<10000x64xi32, #tpu.memory_space<hbm>>
    tpu.enqueue_indirect_dma source(%dma_start3A_146 : memref<10000x64xi32, #tpu.memory_space<hbm>>) target(%arg14 : memref<200x64xi32, #tpu.memory_space<vmem>>) offsets(%dma_start3A_143 : memref<200xi32, #tpu.memory_space<vmem>>) semaphore(%arg26 : memref<!tpu.dma_semaphore, #tpu.memory_space<semaphore_mem>>)
    %scan3A_147 = arith.constant 0 : i32
    %scan3A_148 = arith.constant 0 : i32
    %scan3A_149 = arith.constant 25 : i32
    %scan3A_150 = arith.addi %scan3A_148, %scan3A_149 : i32
    %scan3A_151 = arith.constant 1 : i32
    scf.for %scan3A_161 = %scan3A_148 to %scan3A_150 step %scan3A_151  : i32 {
      %mul3A_162 = arith.constant 2 : i32
      %mul3A_163 = arith.muli %mul3A_162, %scan3A_161 : i32
      %add3A_164 = arith.constant 0 : i32
      %add3A_165 = arith.addi %mul3A_163, %add3A_164 : i32
      %dma_wait3A_166 = arith.constant 0 : i32
      %dma_wait3A_167 = arith.constant 0 : i32
      %dma_wait3A_168 = tpu.memref_slice %arg8[%dma_wait3A_166, %dma_wait3A_167] : memref<10000x64xi32, #tpu.memory_space<hbm>> -> memref<200x64xi32, #tpu.memory_space<hbm>>
      %dma_wait3A_169 = arith.constant 0 : i32
      %dma_wait3A_170 = arith.constant 0 : i32
      %dma_wait3A_171 = tpu.memref_slice %arg8[%dma_wait3A_169, %dma_wait3A_170] : memref<10000x64xi32, #tpu.memory_space<hbm>> -> memref<200x64xi32, #tpu.memory_space<hbm>>
      tpu.wait_dma2 semaphore(%arg23 : memref<!tpu.dma_semaphore, #tpu.memory_space<semaphore_mem>>) src(%dma_wait3A_171 : memref<200x64xi32, #tpu.memory_space<hbm>>) dst(%arg11 : memref<200x64xi32, #tpu.memory_space<vmem>>)
      %dma_wait3A_172 = arith.constant 0 : i32
      %dma_wait3A_173 = arith.constant 0 : i32
      %dma_wait3A_174 = tpu.memref_slice %arg8[%dma_wait3A_172, %dma_wait3A_173] : memref<10000x64xi32, #tpu.memory_space<hbm>> -> memref<200x64xi32, #tpu.memory_space<hbm>>
      %dma_wait3A_175 = arith.constant 0 : i32
      %dma_wait3A_176 = arith.constant 0 : i32
      %dma_wait3A_177 = tpu.memref_slice %arg8[%dma_wait3A_175, %dma_wait3A_176] : memref<10000x64xi32, #tpu.memory_space<hbm>> -> memref<200x64xi32, #tpu.memory_space<hbm>>
      tpu.wait_dma2 semaphore(%arg24 : memref<!tpu.dma_semaphore, #tpu.memory_space<semaphore_mem>>) src(%dma_wait3A_177 : memref<200x64xi32, #tpu.memory_space<hbm>>) dst(%arg12 : memref<200x64xi32, #tpu.memory_space<vmem>>)
      %ge3A = arith.constant 2 : i32
      %ge3A_178 = arith.cmpi sge, %add3A_165, %ge3A : i32
      %convert_element_type3A = arith.extui %ge3A_178 : i1 to i32
      %cond3A = arith.constant 0 : i32
      %cond3A_179 = arith.cmpi ne, %convert_element_type3A, %cond3A : i32
      scf.if %cond3A_179 {
        %dma_wait3A_358 = arith.constant 0 : i32
        %dma_wait3A_359 = tpu.memref_slice %arg7[%dma_wait3A_358] : memref<320000xf32, #tpu.memory_space<hbm>> -> memref<200xf32, #tpu.memory_space<hbm>>
        %dma_wait3A_360 = arith.constant 0 : i32
        %dma_wait3A_361 = tpu.memref_slice %arg7[%dma_wait3A_360] : memref<320000xf32, #tpu.memory_space<hbm>> -> memref<200xf32, #tpu.memory_space<hbm>>
        tpu.wait_dma2 semaphore(%arg27 : memref<!tpu.dma_semaphore, #tpu.memory_space<semaphore_mem>>) src(%arg15 : memref<200xf32, #tpu.memory_space<vmem>>) dst(%dma_wait3A_361 : memref<200xf32, #tpu.memory_space<hbm>>)
      } else {
      }
      %scan3A_180 = arith.constant 0 : i32
      %scan3A_181 = arith.constant 0 : i32
      %scan3A_182 = arith.constant 12 : i32
      %scan3A_183 = arith.addi %scan3A_181, %scan3A_182 : i32
      %scan3A_184 = arith.constant 1 : i32
      scf.for %scan3A_358 = %scan3A_181 to %scan3A_183 step %scan3A_184  : i32 {
        %scan3A_359 = arith.constant 0 : i32
        %scan3A_360 = arith.constant 0 : i32
        %scan3A_361 = arith.constant 16 : i32
        %scan3A_362 = arith.addi %scan3A_360, %scan3A_361 : i32
        %scan3A_363 = arith.constant 1 : i32
        scf.for %scan3A_416 = %scan3A_360 to %scan3A_362 step %scan3A_363  : i32 {
          %mul3A_417 = arith.constant 16 : i32
          %mul3A_418 = arith.muli %scan3A_358, %mul3A_417 : i32
          %add3A_419 = arith.addi %mul3A_418, %scan3A_416 : i32
          %get3A_420 = arith.index_cast %add3A_419 : i32 to index
          %get3A_421 = arith.constant 0 : index
          %get3A_422 = tpu.vector_load %arg11[%get3A_420, %get3A_421] {strides = array<i32>} : memref<200x64xi32, #tpu.memory_space<vmem>>, vector<16xi32>,
          %bitcast3A_423 = vector.bitcast %get3A_422 : vector<16xi32> to vector<32xbf16>
          %get3A_424 = arith.index_cast %add3A_419 : i32 to index
          %get3A_425 = arith.constant 0 : index
          %get3A_426 = tpu.vector_load %arg12[%get3A_424, %get3A_425] {strides = array<i32>} : memref<200x64xi32, #tpu.memory_space<vmem>>, vector<16xi32>,
          %bitcast3A_427 = vector.bitcast %get3A_426 : vector<16xi32> to vector<32xbf16>
          %mul3A_428 = arith.mulf %bitcast3A_423, %pack3A : vector<32xbf16>
          %mul3A_429 = arith.mulf %mul3A_428, %bitcast3A_427 : vector<32xbf16>
          %unpack3A = tpu.unpack_subelements %mul3A_429, 0 {pack_format = #tpu.pack_format<interleaved>} : vector<32xbf16> -> vector<16xf32>
          %unpack3A_430 = tpu.unpack_subelements %mul3A_429, 1 {pack_format = #tpu.pack_format<interleaved>} : vector<32xbf16> -> vector<16xf32>
          %get3A_431 = arith.index_cast %add3A_419 : i32 to index
          %get3A_432 = arith.constant 16 : index
          %get3A_433 = tpu.vector_load %arg11[%get3A_431, %get3A_432] {strides = array<i32>} : memref<200x64xi32, #tpu.memory_space<vmem>>, vector<16xi32>,
          %bitcast3A_434 = vector.bitcast %get3A_433 : vector<16xi32> to vector<32xbf16>
          %get3A_435 = arith.index_cast %add3A_419 : i32 to index
          %get3A_436 = arith.constant 16 : index
          %get3A_437 = tpu.vector_load %arg12[%get3A_435, %get3A_436] {strides = array<i32>} : memref<200x64xi32, #tpu.memory_space<vmem>>, vector<16xi32>,
          %bitcast3A_438 = vector.bitcast %get3A_437 : vector<16xi32> to vector<32xbf16>
          %mul3A_439 = arith.mulf %bitcast3A_434, %pack3A_110 : vector<32xbf16>
          %mul3A_440 = arith.mulf %mul3A_439, %bitcast3A_438 : vector<32xbf16>
          %unpack3A_441 = tpu.unpack_subelements %mul3A_440, 0 {pack_format = #tpu.pack_format<interleaved>} : vector<32xbf16> -> vector<16xf32>
          %unpack3A_442 = tpu.unpack_subelements %mul3A_440, 1 {pack_format = #tpu.pack_format<interleaved>} : vector<32xbf16> -> vector<16xf32>
          %add3A_443 = arith.addf %unpack3A, %unpack3A_441 : vector<16xf32>
          %add3A_444 = arith.addf %unpack3A_430, %unpack3A_442 : vector<16xf32>
          %get3A_445 = arith.index_cast %add3A_419 : i32 to index
          %get3A_446 = arith.constant 32 : index
          %get3A_447 = tpu.vector_load %arg11[%get3A_445, %get3A_446] {strides = array<i32>} : memref<200x64xi32, #tpu.memory_space<vmem>>, vector<16xi32>,
          %bitcast3A_448 = vector.bitcast %get3A_447 : vector<16xi32> to vector<32xbf16>
          %get3A_449 = arith.index_cast %add3A_419 : i32 to index
          %get3A_450 = arith.constant 32 : index
          %get3A_451 = tpu.vector_load %arg12[%get3A_449, %get3A_450] {strides = array<i32>} : memref<200x64xi32, #tpu.memory_space<vmem>>, vector<16xi32>,
          %bitcast3A_452 = vector.bitcast %get3A_451 : vector<16xi32> to vector<32xbf16>
          %mul3A_453 = arith.mulf %bitcast3A_448, %pack3A_117 : vector<32xbf16>
          %mul3A_454 = arith.mulf %mul3A_453, %bitcast3A_452 : vector<32xbf16>
          %unpack3A_455 = tpu.unpack_subelements %mul3A_454, 0 {pack_format = #tpu.pack_format<interleaved>} : vector<32xbf16> -> vector<16xf32>
          %unpack3A_456 = tpu.unpack_subelements %mul3A_454, 1 {pack_format = #tpu.pack_format<interleaved>} : vector<32xbf16> -> vector<16xf32>
          %add3A_457 = arith.addf %add3A_443, %unpack3A_455 : vector<16xf32>
          %add3A_458 = arith.addf %add3A_444, %unpack3A_456 : vector<16xf32>
          %get3A_459 = arith.index_cast %add3A_419 : i32 to index
          %get3A_460 = arith.constant 48 : index
          %get3A_461 = tpu.vector_load %arg11[%get3A_459, %get3A_460] {strides = array<i32>} : memref<200x64xi32, #tpu.memory_space<vmem>>, vector<16xi32>,
          %bitcast3A_462 = vector.bitcast %get3A_461 : vector<16xi32> to vector<32xbf16>
          %get3A_463 = arith.index_cast %add3A_419 : i32 to index
          %get3A_464 = arith.constant 48 : index
          %get3A_465 = tpu.vector_load %arg12[%get3A_463, %get3A_464] {strides = array<i32>} : memref<200x64xi32, #tpu.memory_space<vmem>>, vector<16xi32>,
          %bitcast3A_466 = vector.bitcast %get3A_465 : vector<16xi32> to vector<32xbf16>
          %mul3A_467 = arith.mulf %bitcast3A_462, %pack3A_124 : vector<32xbf16>
          %mul3A_468 = arith.mulf %mul3A_467, %bitcast3A_466 : vector<32xbf16>
          %unpack3A_469 = tpu.unpack_subelements %mul3A_468, 0 {pack_format = #tpu.pack_format<interleaved>} : vector<32xbf16> -> vector<16xf32>
          %unpack3A_470 = tpu.unpack_subelements %mul3A_468, 1 {pack_format = #tpu.pack_format<interleaved>} : vector<32xbf16> -> vector<16xf32>
          %add3A_471 = arith.addf %add3A_457, %unpack3A_469 : vector<16xf32>
          %add3A_472 = arith.addf %add3A_458, %unpack3A_470 : vector<16xf32>
          %add3A_473 = arith.addf %add3A_471, %add3A_472 : vector<16xf32>
          %mul3A_474 = arith.constant 16 : i32
          %mul3A_475 = vector.broadcast %mul3A_474 : i32 to vector<16xi32>
          %mul3A_476 = arith.muli %iota3A, %mul3A_475 : vector<16xi32>
          %add3A_477 = vector.broadcast %scan3A_416 : i32 to vector<16xi32>
          %add3A_478 = arith.addi %mul3A_476, %add3A_477 : vector<16xi32>
          tpu.vector_store_idx %arg22[%add3A_478], %add3A_473 : memref<256xf32, #tpu.memory_space<vmem>>[vector<16xi32>], vector<16xf32>,
        }
        %scan3A_364 = arith.constant 16 : i32
        %get3A_365 = arith.constant 0 : index
        %get3A_366 = tpu.vector_load %arg22[%get3A_365] {strides = array<i32>} : memref<256xf32, #tpu.memory_space<vmem>>, vector<16xf32>,
        %get3A_367 = arith.constant 16 : index
        %get3A_368 = tpu.vector_load %arg22[%get3A_367] {strides = array<i32>} : memref<256xf32, #tpu.memory_space<vmem>>, vector<16xf32>,
        %get3A_369 = arith.constant 32 : index
        %get3A_370 = tpu.vector_load %arg22[%get3A_369] {strides = array<i32>} : memref<256xf32, #tpu.memory_space<vmem>>, vector<16xf32>,
        %get3A_371 = arith.constant 48 : index
        %get3A_372 = tpu.vector_load %arg22[%get3A_371] {strides = array<i32>} : memref<256xf32, #tpu.memory_space<vmem>>, vector<16xf32>,
        %get3A_373 = arith.constant 64 : index
        %get3A_374 = tpu.vector_load %arg22[%get3A_373] {strides = array<i32>} : memref<256xf32, #tpu.memory_space<vmem>>, vector<16xf32>,
        %get3A_375 = arith.constant 80 : index
        %get3A_376 = tpu.vector_load %arg22[%get3A_375] {strides = array<i32>} : memref<256xf32, #tpu.memory_space<vmem>>, vector<16xf32>,
        %get3A_377 = arith.constant 96 : index
        %get3A_378 = tpu.vector_load %arg22[%get3A_377] {strides = array<i32>} : memref<256xf32, #tpu.memory_space<vmem>>, vector<16xf32>,
        %get3A_379 = arith.constant 112 : index
        %get3A_380 = tpu.vector_load %arg22[%get3A_379] {strides = array<i32>} : memref<256xf32, #tpu.memory_space<vmem>>, vector<16xf32>,
        %get3A_381 = arith.constant 128 : index
        %get3A_382 = tpu.vector_load %arg22[%get3A_381] {strides = array<i32>} : memref<256xf32, #tpu.memory_space<vmem>>, vector<16xf32>,
        %get3A_383 = arith.constant 144 : index
        %get3A_384 = tpu.vector_load %arg22[%get3A_383] {strides = array<i32>} : memref<256xf32, #tpu.memory_space<vmem>>, vector<16xf32>,
        %get3A_385 = arith.constant 160 : index
        %get3A_386 = tpu.vector_load %arg22[%get3A_385] {strides = array<i32>} : memref<256xf32, #tpu.memory_space<vmem>>, vector<16xf32>,
        %get3A_387 = arith.constant 176 : index
        %get3A_388 = tpu.vector_load %arg22[%get3A_387] {strides = array<i32>} : memref<256xf32, #tpu.memory_space<vmem>>, vector<16xf32>,
        %get3A_389 = arith.constant 192 : index
        %get3A_390 = tpu.vector_load %arg22[%get3A_389] {strides = array<i32>} : memref<256xf32, #tpu.memory_space<vmem>>, vector<16xf32>,
        %get3A_391 = arith.constant 208 : index
        %get3A_392 = tpu.vector_load %arg22[%get3A_391] {strides = array<i32>} : memref<256xf32, #tpu.memory_space<vmem>>, vector<16xf32>,
        %get3A_393 = arith.constant 224 : index
        %get3A_394 = tpu.vector_load %arg22[%get3A_393] {strides = array<i32>} : memref<256xf32, #tpu.memory_space<vmem>>, vector<16xf32>,
        %get3A_395 = arith.constant 240 : index
        %get3A_396 = tpu.vector_load %arg22[%get3A_395] {strides = array<i32>} : memref<256xf32, #tpu.memory_space<vmem>>, vector<16xf32>,
        %add3A_397 = arith.addf %get3A_366, %get3A_368 : vector<16xf32>
        %add3A_398 = arith.addf %get3A_370, %get3A_372 : vector<16xf32>
        %add3A_399 = arith.addf %get3A_374, %get3A_376 : vector<16xf32>
        %add3A_400 = arith.addf %get3A_378, %get3A_380 : vector<16xf32>
        %add3A_401 = arith.addf %get3A_382, %get3A_384 : vector<16xf32>
        %add3A_402 = arith.addf %get3A_386, %get3A_388 : vector<16xf32>
        %add3A_403 = arith.addf %get3A_390, %get3A_392 : vector<16xf32>
        %add3A_404 = arith.addf %get3A_394, %get3A_396 : vector<16xf32>
        %add3A_405 = arith.addf %add3A_397, %add3A_398 : vector<16xf32>
        %add3A_406 = arith.addf %add3A_399, %add3A_400 : vector<16xf32>
        %add3A_407 = arith.addf %add3A_401, %add3A_402 : vector<16xf32>
        %add3A_408 = arith.addf %add3A_403, %add3A_404 : vector<16xf32>
        %add3A_409 = arith.addf %add3A_405, %add3A_406 : vector<16xf32>
        %add3A_410 = arith.addf %add3A_407, %add3A_408 : vector<16xf32>
        %add3A_411 = arith.addf %add3A_409, %add3A_410 : vector<16xf32>
        %add3A_412 = arith.addf %add3A_411, %get3A_126 : vector<16xf32>
        %mul3A_413 = arith.constant 16 : i32
        %mul3A_414 = arith.muli %scan3A_358, %mul3A_413 : i32
        %swap3A = arith.index_cast %mul3A_414 : i32 to index
        %swap3A_415 = tpu.vector_load %arg15[%swap3A] {strides = array<i32>} : memref<200xf32, #tpu.memory_space<vmem>>, vector<16xf32>,
        tpu.vector_store %arg15[%swap3A], %add3A_412 {strides = array<i32>} : memref<200xf32, #tpu.memory_space<vmem>>, vector<16xf32>,
      }
      %scan3A_185 = arith.constant 12 : i32
      %scan3A_186 = arith.constant 0 : i32
      %scan3A_187 = arith.constant 0 : i32
      %scan3A_188 = arith.constant 8 : i32
      %scan3A_189 = arith.addi %scan3A_187, %scan3A_188 : i32
      %scan3A_190 = arith.constant 1 : i32
      scf.for %scan3A_358 = %scan3A_187 to %scan3A_189 step %scan3A_190  : i32 {
        %add3A_359 = arith.constant 192 : i32
        %add3A_360 = arith.addi %add3A_359, %scan3A_358 : i32
        %get3A_361 = arith.index_cast %add3A_360 : i32 to index
        %get3A_362 = arith.constant 0 : index
        %get3A_363 = tpu.vector_load %arg11[%get3A_361, %get3A_362] {strides = array<i32>} : memref<200x64xi32, #tpu.memory_space<vmem>>, vector<16xi32>,
        %bitcast3A_364 = vector.bitcast %get3A_363 : vector<16xi32> to vector<32xbf16>
        %get3A_365 = arith.index_cast %add3A_360 : i32 to index
        %get3A_366 = arith.constant 0 : index
        %get3A_367 = tpu.vector_load %arg12[%get3A_365, %get3A_366] {strides = array<i32>} : memref<200x64xi32, #tpu.memory_space<vmem>>, vector<16xi32>,
        %bitcast3A_368 = vector.bitcast %get3A_367 : vector<16xi32> to vector<32xbf16>
        %mul3A_369 = arith.mulf %bitcast3A_364, %pack3A : vector<32xbf16>
        %mul3A_370 = arith.mulf %mul3A_369, %bitcast3A_368 : vector<32xbf16>
        %unpack3A = tpu.unpack_subelements %mul3A_370, 0 {pack_format = #tpu.pack_format<interleaved>} : vector<32xbf16> -> vector<16xf32>
        %unpack3A_371 = tpu.unpack_subelements %mul3A_370, 1 {pack_format = #tpu.pack_format<interleaved>} : vector<32xbf16> -> vector<16xf32>
        %get3A_372 = arith.index_cast %add3A_360 : i32 to index
        %get3A_373 = arith.constant 16 : index
        %get3A_374 = tpu.vector_load %arg11[%get3A_372, %get3A_373] {strides = array<i32>} : memref<200x64xi32, #tpu.memory_space<vmem>>, vector<16xi32>,
        %bitcast3A_375 = vector.bitcast %get3A_374 : vector<16xi32> to vector<32xbf16>
        %get3A_376 = arith.index_cast %add3A_360 : i32 to index
        %get3A_377 = arith.constant 16 : index
        %get3A_378 = tpu.vector_load %arg12[%get3A_376, %get3A_377] {strides = array<i32>} : memref<200x64xi32, #tpu.memory_space<vmem>>, vector<16xi32>,
        %bitcast3A_379 = vector.bitcast %get3A_378 : vector<16xi32> to vector<32xbf16>
        %mul3A_380 = arith.mulf %bitcast3A_375, %pack3A_110 : vector<32xbf16>
        %mul3A_381 = arith.mulf %mul3A_380, %bitcast3A_379 : vector<32xbf16>
        %unpack3A_382 = tpu.unpack_subelements %mul3A_381, 0 {pack_format = #tpu.pack_format<interleaved>} : vector<32xbf16> -> vector<16xf32>
        %unpack3A_383 = tpu.unpack_subelements %mul3A_381, 1 {pack_format = #tpu.pack_format<interleaved>} : vector<32xbf16> -> vector<16xf32>
        %add3A_384 = arith.addf %unpack3A, %unpack3A_382 : vector<16xf32>
        %add3A_385 = arith.addf %unpack3A_371, %unpack3A_383 : vector<16xf32>
        %get3A_386 = arith.index_cast %add3A_360 : i32 to index
        %get3A_387 = arith.constant 32 : index
        %get3A_388 = tpu.vector_load %arg11[%get3A_386, %get3A_387] {strides = array<i32>} : memref<200x64xi32, #tpu.memory_space<vmem>>, vector<16xi32>,
        %bitcast3A_389 = vector.bitcast %get3A_388 : vector<16xi32> to vector<32xbf16>
        %get3A_390 = arith.index_cast %add3A_360 : i32 to index
        %get3A_391 = arith.constant 32 : index
        %get3A_392 = tpu.vector_load %arg12[%get3A_390, %get3A_391] {strides = array<i32>} : memref<200x64xi32, #tpu.memory_space<vmem>>, vector<16xi32>,
        %bitcast3A_393 = vector.bitcast %get3A_392 : vector<16xi32> to vector<32xbf16>
        %mul3A_394 = arith.mulf %bitcast3A_389, %pack3A_117 : vector<32xbf16>
        %mul3A_395 = arith.mulf %mul3A_394, %bitcast3A_393 : vector<32xbf16>
        %unpack3A_396 = tpu.unpack_subelements %mul3A_395, 0 {pack_format = #tpu.pack_format<interleaved>} : vector<32xbf16> -> vector<16xf32>
        %unpack3A_397 = tpu.unpack_subelements %mul3A_395, 1 {pack_format = #tpu.pack_format<interleaved>} : vector<32xbf16> -> vector<16xf32>
        %add3A_398 = arith.addf %add3A_384, %unpack3A_396 : vector<16xf32>
        %add3A_399 = arith.addf %add3A_385, %unpack3A_397 : vector<16xf32>
        %get3A_400 = arith.index_cast %add3A_360 : i32 to index
        %get3A_401 = arith.constant 48 : index
        %get3A_402 = tpu.vector_load %arg11[%get3A_400, %get3A_401] {strides = array<i32>} : memref<200x64xi32, #tpu.memory_space<vmem>>, vector<16xi32>,
        %bitcast3A_403 = vector.bitcast %get3A_402 : vector<16xi32> to vector<32xbf16>
        %get3A_404 = arith.index_cast %add3A_360 : i32 to index
        %get3A_405 = arith.constant 48 : index
        %get3A_406 = tpu.vector_load %arg12[%get3A_404, %get3A_405] {strides = array<i32>} : memref<200x64xi32, #tpu.memory_space<vmem>>, vector<16xi32>,
        %bitcast3A_407 = vector.bitcast %get3A_406 : vector<16xi32> to vector<32xbf16>
        %mul3A_408 = arith.mulf %bitcast3A_403, %pack3A_124 : vector<32xbf16>
        %mul3A_409 = arith.mulf %mul3A_408, %bitcast3A_407 : vector<32xbf16>
        %unpack3A_410 = tpu.unpack_subelements %mul3A_409, 0 {pack_format = #tpu.pack_format<interleaved>} : vector<32xbf16> -> vector<16xf32>
        %unpack3A_411 = tpu.unpack_subelements %mul3A_409, 1 {pack_format = #tpu.pack_format<interleaved>} : vector<32xbf16> -> vector<16xf32>
        %add3A_412 = arith.addf %add3A_398, %unpack3A_410 : vector<16xf32>
        %add3A_413 = arith.addf %add3A_399, %unpack3A_411 : vector<16xf32>
        %add3A_414 = arith.addf %add3A_412, %add3A_413 : vector<16xf32>
        %mul3A_415 = arith.constant 16 : i32
        %mul3A_416 = vector.broadcast %mul3A_415 : i32 to vector<16xi32>
        %mul3A_417 = arith.muli %iota3A, %mul3A_416 : vector<16xi32>
        %add3A_418 = vector.broadcast %scan3A_358 : i32 to vector<16xi32>
        %add3A_419 = arith.addi %mul3A_417, %add3A_418 : vector<16xi32>
        tpu.vector_store_idx %arg22[%add3A_419], %add3A_414 : memref<256xf32, #tpu.memory_space<vmem>>[vector<16xi32>], vector<16xf32>,
      }
      %scan3A_191 = arith.constant 8 : i32
      %add3A_192 = arith.constant 192 : i32
      %add3A_193 = vector.broadcast %add3A_192 : i32 to vector<16xi32>
      %add3A_194 = arith.addi %add3A_193, %iota3A : vector<16xi32>
      %get3A_195 = arith.constant 0 : index
      %get3A_196 = tpu.vector_load %arg22[%get3A_195] {strides = array<i32>} : memref<256xf32, #tpu.memory_space<vmem>>, vector<16xf32>,
      %get3A_197 = arith.constant 16 : index
      %get3A_198 = tpu.vector_load %arg22[%get3A_197] {strides = array<i32>} : memref<256xf32, #tpu.memory_space<vmem>>, vector<16xf32>,
      %get3A_199 = arith.constant 32 : index
      %get3A_200 = tpu.vector_load %arg22[%get3A_199] {strides = array<i32>} : memref<256xf32, #tpu.memory_space<vmem>>, vector<16xf32>,
      %get3A_201 = arith.constant 48 : index
      %get3A_202 = tpu.vector_load %arg22[%get3A_201] {strides = array<i32>} : memref<256xf32, #tpu.memory_space<vmem>>, vector<16xf32>,
      %get3A_203 = arith.constant 64 : index
      %get3A_204 = tpu.vector_load %arg22[%get3A_203] {strides = array<i32>} : memref<256xf32, #tpu.memory_space<vmem>>, vector<16xf32>,
      %get3A_205 = arith.constant 80 : index
      %get3A_206 = tpu.vector_load %arg22[%get3A_205] {strides = array<i32>} : memref<256xf32, #tpu.memory_space<vmem>>, vector<16xf32>,
      %get3A_207 = arith.constant 96 : index
      %get3A_208 = tpu.vector_load %arg22[%get3A_207] {strides = array<i32>} : memref<256xf32, #tpu.memory_space<vmem>>, vector<16xf32>,
      %get3A_209 = arith.constant 112 : index
      %get3A_210 = tpu.vector_load %arg22[%get3A_209] {strides = array<i32>} : memref<256xf32, #tpu.memory_space<vmem>>, vector<16xf32>,
      %get3A_211 = arith.constant 128 : index
      %get3A_212 = tpu.vector_load %arg22[%get3A_211] {strides = array<i32>} : memref<256xf32, #tpu.memory_space<vmem>>, vector<16xf32>,
      %get3A_213 = arith.constant 144 : index
      %get3A_214 = tpu.vector_load %arg22[%get3A_213] {strides = array<i32>} : memref<256xf32, #tpu.memory_space<vmem>>, vector<16xf32>,
      %get3A_215 = arith.constant 160 : index
      %get3A_216 = tpu.vector_load %arg22[%get3A_215] {strides = array<i32>} : memref<256xf32, #tpu.memory_space<vmem>>, vector<16xf32>,
      %get3A_217 = arith.constant 176 : index
      %get3A_218 = tpu.vector_load %arg22[%get3A_217] {strides = array<i32>} : memref<256xf32, #tpu.memory_space<vmem>>, vector<16xf32>,
      %get3A_219 = arith.constant 192 : index
      %get3A_220 = tpu.vector_load %arg22[%get3A_219] {strides = array<i32>} : memref<256xf32, #tpu.memory_space<vmem>>, vector<16xf32>,
      %get3A_221 = arith.constant 208 : index
      %get3A_222 = tpu.vector_load %arg22[%get3A_221] {strides = array<i32>} : memref<256xf32, #tpu.memory_space<vmem>>, vector<16xf32>,
      %get3A_223 = arith.constant 224 : index
      %get3A_224 = tpu.vector_load %arg22[%get3A_223] {strides = array<i32>} : memref<256xf32, #tpu.memory_space<vmem>>, vector<16xf32>,
      %get3A_225 = arith.constant 240 : index
      %get3A_226 = tpu.vector_load %arg22[%get3A_225] {strides = array<i32>} : memref<256xf32, #tpu.memory_space<vmem>>, vector<16xf32>,
      %add3A_227 = arith.addf %get3A_196, %get3A_198 : vector<16xf32>
      %add3A_228 = arith.addf %get3A_200, %get3A_202 : vector<16xf32>
      %add3A_229 = arith.addf %get3A_204, %get3A_206 : vector<16xf32>
      %add3A_230 = arith.addf %get3A_208, %get3A_210 : vector<16xf32>
      %add3A_231 = arith.addf %get3A_212, %get3A_214 : vector<16xf32>
      %add3A_232 = arith.addf %get3A_216, %get3A_218 : vector<16xf32>
      %add3A_233 = arith.addf %get3A_220, %get3A_222 : vector<16xf32>
      %add3A_234 = arith.addf %get3A_224, %get3A_226 : vector<16xf32>
      %add3A_235 = arith.addf %add3A_227, %add3A_228 : vector<16xf32>
      %add3A_236 = arith.addf %add3A_229, %add3A_230 : vector<16xf32>
      %add3A_237 = arith.addf %add3A_231, %add3A_232 : vector<16xf32>
      %add3A_238 = arith.addf %add3A_233, %add3A_234 : vector<16xf32>
      %add3A_239 = arith.addf %add3A_235, %add3A_236 : vector<16xf32>
      %add3A_240 = arith.addf %add3A_237, %add3A_238 : vector<16xf32>
      %add3A_241 = arith.addf %add3A_239, %add3A_240 : vector<16xf32>
      %add3A_242 = arith.addf %add3A_241, %get3A_126 : vector<16xf32>
      %lt3A = arith.constant 8 : i32
      %lt3A_243 = vector.broadcast %lt3A : i32 to vector<16xi32>
      %lt3A_244 = arith.cmpi slt, %iota3A, %lt3A_243 : vector<16xi32>
      tpu.vector_store_idx %arg15[%add3A_194], %add3A_242 masked %lt3A_244 : memref<200xf32, #tpu.memory_space<vmem>>[vector<16xi32>], vector<16xf32>, vector<16xi1>
      %add3A_245 = arith.constant 2 : i32
      %add3A_246 = arith.addi %add3A_165, %add3A_245 : i32
      %lt3A_247 = arith.constant 50 : i32
      %lt3A_248 = arith.cmpi slt, %add3A_246, %lt3A_247 : i32
      %convert_element_type3A_249 = arith.extui %lt3A_248 : i1 to i32
      %cond3A_250 = arith.constant 0 : i32
      %cond3A_251 = arith.cmpi ne, %convert_element_type3A_249, %cond3A_250 : i32
      scf.if %cond3A_251 {
        %add3A_358 = arith.constant 2 : i32
        %add3A_359 = arith.addi %add3A_165, %add3A_358 : i32
        %mul3A_360 = arith.constant 200 : i32
        %mul3A_361 = arith.muli %add3A_359, %mul3A_360 : i32
        %dma_start3A_362 = tpu.memref_slice %arg9[%mul3A_361] : memref<10000xi32, #tpu.memory_space<vmem>> -> memref<200xi32, #tpu.memory_space<vmem>>
        %dma_start3A_363 = arith.constant 0 : i32
        %dma_start3A_364 = arith.constant 0 : i32
        %dma_start3A_365 = tpu.memref_slice %arg8[%dma_start3A_363, %dma_start3A_364] : memref<10000x64xi32, #tpu.memory_space<hbm>> -> memref<10000x64xi32, #tpu.memory_space<hbm>>
        tpu.enqueue_indirect_dma source(%dma_start3A_365 : memref<10000x64xi32, #tpu.memory_space<hbm>>) target(%arg11 : memref<200x64xi32, #tpu.memory_space<vmem>>) offsets(%dma_start3A_362 : memref<200xi32, #tpu.memory_space<vmem>>) semaphore(%arg23 : memref<!tpu.dma_semaphore, #tpu.memory_space<semaphore_mem>>)
        %dma_start3A_366 = tpu.memref_slice %arg10[%mul3A_361] : memref<10000xi32, #tpu.memory_space<vmem>> -> memref<200xi32, #tpu.memory_space<vmem>>
        %dma_start3A_367 = arith.constant 0 : i32
        %dma_start3A_368 = arith.constant 0 : i32
        %dma_start3A_369 = tpu.memref_slice %arg8[%dma_start3A_367, %dma_start3A_368] : memref<10000x64xi32, #tpu.memory_space<hbm>> -> memref<10000x64xi32, #tpu.memory_space<hbm>>
        tpu.enqueue_indirect_dma source(%dma_start3A_369 : memref<10000x64xi32, #tpu.memory_space<hbm>>) target(%arg12 : memref<200x64xi32, #tpu.memory_space<vmem>>) offsets(%dma_start3A_366 : memref<200xi32, #tpu.memory_space<vmem>>) semaphore(%arg24 : memref<!tpu.dma_semaphore, #tpu.memory_space<semaphore_mem>>)
      } else {
      }
      %mul3A_252 = arith.constant 200 : i32
      %mul3A_253 = arith.muli %add3A_165, %mul3A_252 : i32
      %add3A_254 = arith.addi %multiple_of3A, %mul3A_253 : i32
      %multiple_of3A_255 = tpu.assume_multiple %add3A_254, 8 : i32
      %dma_start3A_256 = tpu.memref_slice %arg7[%multiple_of3A_255] : memref<320000xf32, #tpu.memory_space<hbm>> -> memref<200xf32, #tpu.memory_space<hbm>>
      %dma_start3A_257 = tpu.memref_slice %arg7[%multiple_of3A_255] : memref<320000xf32, #tpu.memory_space<hbm>> -> memref<200xf32, #tpu.memory_space<hbm>>
      tpu.enqueue_dma source(%arg15 : memref<200xf32, #tpu.memory_space<vmem>>) target(%dma_start3A_257 : memref<200xf32, #tpu.memory_space<hbm>>) target_semaphore(%arg27 : memref<!tpu.dma_semaphore, #tpu.memory_space<semaphore_mem>>)
      %mul3A_258 = arith.constant 2 : i32
      %mul3A_259 = arith.muli %mul3A_258, %scan3A_161 : i32
      %add3A_260 = arith.constant 1 : i32
      %add3A_261 = arith.addi %mul3A_259, %add3A_260 : i32
      %dma_wait3A_262 = arith.constant 0 : i32
      %dma_wait3A_263 = arith.constant 0 : i32
      %dma_wait3A_264 = tpu.memref_slice %arg8[%dma_wait3A_262, %dma_wait3A_263] : memref<10000x64xi32, #tpu.memory_space<hbm>> -> memref<200x64xi32, #tpu.memory_space<hbm>>
      %dma_wait3A_265 = arith.constant 0 : i32
      %dma_wait3A_266 = arith.constant 0 : i32
      %dma_wait3A_267 = tpu.memref_slice %arg8[%dma_wait3A_265, %dma_wait3A_266] : memref<10000x64xi32, #tpu.memory_space<hbm>> -> memref<200x64xi32, #tpu.memory_space<hbm>>
      tpu.wait_dma2 semaphore(%arg25 : memref<!tpu.dma_semaphore, #tpu.memory_space<semaphore_mem>>) src(%dma_wait3A_267 : memref<200x64xi32, #tpu.memory_space<hbm>>) dst(%arg13 : memref<200x64xi32, #tpu.memory_space<vmem>>)
      %dma_wait3A_268 = arith.constant 0 : i32
      %dma_wait3A_269 = arith.constant 0 : i32
      %dma_wait3A_270 = tpu.memref_slice %arg8[%dma_wait3A_268, %dma_wait3A_269] : memref<10000x64xi32, #tpu.memory_space<hbm>> -> memref<200x64xi32, #tpu.memory_space<hbm>>
      %dma_wait3A_271 = arith.constant 0 : i32
      %dma_wait3A_272 = arith.constant 0 : i32
      %dma_wait3A_273 = tpu.memref_slice %arg8[%dma_wait3A_271, %dma_wait3A_272] : memref<10000x64xi32, #tpu.memory_space<hbm>> -> memref<200x64xi32, #tpu.memory_space<hbm>>
      tpu.wait_dma2 semaphore(%arg26 : memref<!tpu.dma_semaphore, #tpu.memory_space<semaphore_mem>>) src(%dma_wait3A_273 : memref<200x64xi32, #tpu.memory_space<hbm>>) dst(%arg14 : memref<200x64xi32, #tpu.memory_space<vmem>>)
      %ge3A_274 = arith.constant 2 : i32
      %ge3A_275 = arith.cmpi sge, %add3A_261, %ge3A_274 : i32
      %convert_element_type3A_276 = arith.extui %ge3A_275 : i1 to i32
      %cond3A_277 = arith.constant 0 : i32
      %cond3A_278 = arith.cmpi ne, %convert_element_type3A_276, %cond3A_277 : i32
      scf.if %cond3A_278 {
        %dma_wait3A_358 = arith.constant 0 : i32
        %dma_wait3A_359 = tpu.memref_slice %arg7[%dma_wait3A_358] : memref<320000xf32, #tpu.memory_space<hbm>> -> memref<200xf32, #tpu.memory_space<hbm>>
        %dma_wait3A_360 = arith.constant 0 : i32
        %dma_wait3A_361 = tpu.memref_slice %arg7[%dma_wait3A_360] : memref<320000xf32, #tpu.memory_space<hbm>> -> memref<200xf32, #tpu.memory_space<hbm>>
        tpu.wait_dma2 semaphore(%arg28 : memref<!tpu.dma_semaphore, #tpu.memory_space<semaphore_mem>>) src(%arg16 : memref<200xf32, #tpu.memory_space<vmem>>) dst(%dma_wait3A_361 : memref<200xf32, #tpu.memory_space<hbm>>)
      } else {
      }
      %scan3A_279 = arith.constant 0 : i32
      %scan3A_280 = arith.constant 0 : i32
      %scan3A_281 = arith.constant 12 : i32
      %scan3A_282 = arith.addi %scan3A_280, %scan3A_281 : i32
      %scan3A_283 = arith.constant 1 : i32
      scf.for %scan3A_358 = %scan3A_280 to %scan3A_282 step %scan3A_283  : i32 {
        %scan3A_359 = arith.constant 0 : i32
        %scan3A_360 = arith.constant 0 : i32
        %scan3A_361 = arith.constant 16 : i32
        %scan3A_362 = arith.addi %scan3A_360, %scan3A_361 : i32
        %scan3A_363 = arith.constant 1 : i32
        scf.for %scan3A_416 = %scan3A_360 to %scan3A_362 step %scan3A_363  : i32 {
          %mul3A_417 = arith.constant 16 : i32
          %mul3A_418 = arith.muli %scan3A_358, %mul3A_417 : i32
          %add3A_419 = arith.addi %mul3A_418, %scan3A_416 : i32
          %get3A_420 = arith.index_cast %add3A_419 : i32 to index
          %get3A_421 = arith.constant 0 : index
          %get3A_422 = tpu.vector_load %arg13[%get3A_420, %get3A_421] {strides = array<i32>} : memref<200x64xi32, #tpu.memory_space<vmem>>, vector<16xi32>,
          %bitcast3A_423 = vector.bitcast %get3A_422 : vector<16xi32> to vector<32xbf16>
          %get3A_424 = arith.index_cast %add3A_419 : i32 to index
          %get3A_425 = arith.constant 0 : index
          %get3A_426 = tpu.vector_load %arg14[%get3A_424, %get3A_425] {strides = array<i32>} : memref<200x64xi32, #tpu.memory_space<vmem>>, vector<16xi32>,
          %bitcast3A_427 = vector.bitcast %get3A_426 : vector<16xi32> to vector<32xbf16>
          %mul3A_428 = arith.mulf %bitcast3A_423, %pack3A : vector<32xbf16>
          %mul3A_429 = arith.mulf %mul3A_428, %bitcast3A_427 : vector<32xbf16>
          %unpack3A = tpu.unpack_subelements %mul3A_429, 0 {pack_format = #tpu.pack_format<interleaved>} : vector<32xbf16> -> vector<16xf32>
          %unpack3A_430 = tpu.unpack_subelements %mul3A_429, 1 {pack_format = #tpu.pack_format<interleaved>} : vector<32xbf16> -> vector<16xf32>
          %get3A_431 = arith.index_cast %add3A_419 : i32 to index
          %get3A_432 = arith.constant 16 : index
          %get3A_433 = tpu.vector_load %arg13[%get3A_431, %get3A_432] {strides = array<i32>} : memref<200x64xi32, #tpu.memory_space<vmem>>, vector<16xi32>,
          %bitcast3A_434 = vector.bitcast %get3A_433 : vector<16xi32> to vector<32xbf16>
          %get3A_435 = arith.index_cast %add3A_419 : i32 to index
          %get3A_436 = arith.constant 16 : index
          %get3A_437 = tpu.vector_load %arg14[%get3A_435, %get3A_436] {strides = array<i32>} : memref<200x64xi32, #tpu.memory_space<vmem>>, vector<16xi32>,
          %bitcast3A_438 = vector.bitcast %get3A_437 : vector<16xi32> to vector<32xbf16>
          %mul3A_439 = arith.mulf %bitcast3A_434, %pack3A_110 : vector<32xbf16>
          %mul3A_440 = arith.mulf %mul3A_439, %bitcast3A_438 : vector<32xbf16>
          %unpack3A_441 = tpu.unpack_subelements %mul3A_440, 0 {pack_format = #tpu.pack_format<interleaved>} : vector<32xbf16> -> vector<16xf32>
          %unpack3A_442 = tpu.unpack_subelements %mul3A_440, 1 {pack_format = #tpu.pack_format<interleaved>} : vector<32xbf16> -> vector<16xf32>
          %add3A_443 = arith.addf %unpack3A, %unpack3A_441 : vector<16xf32>
          %add3A_444 = arith.addf %unpack3A_430, %unpack3A_442 : vector<16xf32>
          %get3A_445 = arith.index_cast %add3A_419 : i32 to index
          %get3A_446 = arith.constant 32 : index
          %get3A_447 = tpu.vector_load %arg13[%get3A_445, %get3A_446] {strides = array<i32>} : memref<200x64xi32, #tpu.memory_space<vmem>>, vector<16xi32>,
          %bitcast3A_448 = vector.bitcast %get3A_447 : vector<16xi32> to vector<32xbf16>
          %get3A_449 = arith.index_cast %add3A_419 : i32 to index
          %get3A_450 = arith.constant 32 : index
          %get3A_451 = tpu.vector_load %arg14[%get3A_449, %get3A_450] {strides = array<i32>} : memref<200x64xi32, #tpu.memory_space<vmem>>, vector<16xi32>,
          %bitcast3A_452 = vector.bitcast %get3A_451 : vector<16xi32> to vector<32xbf16>
          %mul3A_453 = arith.mulf %bitcast3A_448, %pack3A_117 : vector<32xbf16>
          %mul3A_454 = arith.mulf %mul3A_453, %bitcast3A_452 : vector<32xbf16>
          %unpack3A_455 = tpu.unpack_subelements %mul3A_454, 0 {pack_format = #tpu.pack_format<interleaved>} : vector<32xbf16> -> vector<16xf32>
          %unpack3A_456 = tpu.unpack_subelements %mul3A_454, 1 {pack_format = #tpu.pack_format<interleaved>} : vector<32xbf16> -> vector<16xf32>
          %add3A_457 = arith.addf %add3A_443, %unpack3A_455 : vector<16xf32>
          %add3A_458 = arith.addf %add3A_444, %unpack3A_456 : vector<16xf32>
          %get3A_459 = arith.index_cast %add3A_419 : i32 to index
          %get3A_460 = arith.constant 48 : index
          %get3A_461 = tpu.vector_load %arg13[%get3A_459, %get3A_460] {strides = array<i32>} : memref<200x64xi32, #tpu.memory_space<vmem>>, vector<16xi32>,
          %bitcast3A_462 = vector.bitcast %get3A_461 : vector<16xi32> to vector<32xbf16>
          %get3A_463 = arith.index_cast %add3A_419 : i32 to index
          %get3A_464 = arith.constant 48 : index
          %get3A_465 = tpu.vector_load %arg14[%get3A_463, %get3A_464] {strides = array<i32>} : memref<200x64xi32, #tpu.memory_space<vmem>>, vector<16xi32>,
          %bitcast3A_466 = vector.bitcast %get3A_465 : vector<16xi32> to vector<32xbf16>
          %mul3A_467 = arith.mulf %bitcast3A_462, %pack3A_124 : vector<32xbf16>
          %mul3A_468 = arith.mulf %mul3A_467, %bitcast3A_466 : vector<32xbf16>
          %unpack3A_469 = tpu.unpack_subelements %mul3A_468, 0 {pack_format = #tpu.pack_format<interleaved>} : vector<32xbf16> -> vector<16xf32>
          %unpack3A_470 = tpu.unpack_subelements %mul3A_468, 1 {pack_format = #tpu.pack_format<interleaved>} : vector<32xbf16> -> vector<16xf32>
          %add3A_471 = arith.addf %add3A_457, %unpack3A_469 : vector<16xf32>
          %add3A_472 = arith.addf %add3A_458, %unpack3A_470 : vector<16xf32>
          %add3A_473 = arith.addf %add3A_471, %add3A_472 : vector<16xf32>
          %mul3A_474 = arith.constant 16 : i32
          %mul3A_475 = vector.broadcast %mul3A_474 : i32 to vector<16xi32>
          %mul3A_476 = arith.muli %iota3A, %mul3A_475 : vector<16xi32>
          %add3A_477 = vector.broadcast %scan3A_416 : i32 to vector<16xi32>
          %add3A_478 = arith.addi %mul3A_476, %add3A_477 : vector<16xi32>
          tpu.vector_store_idx %arg22[%add3A_478], %add3A_473 : memref<256xf32, #tpu.memory_space<vmem>>[vector<16xi32>], vector<16xf32>,
        }
        %scan3A_364 = arith.constant 16 : i32
        %get3A_365 = arith.constant 0 : index
        %get3A_366 = tpu.vector_load %arg22[%get3A_365] {strides = array<i32>} : memref<256xf32, #tpu.memory_space<vmem>>, vector<16xf32>,
        %get3A_367 = arith.constant 16 : index
        %get3A_368 = tpu.vector_load %arg22[%get3A_367] {strides = array<i32>} : memref<256xf32, #tpu.memory_space<vmem>>, vector<16xf32>,
        %get3A_369 = arith.constant 32 : index
        %get3A_370 = tpu.vector_load %arg22[%get3A_369] {strides = array<i32>} : memref<256xf32, #tpu.memory_space<vmem>>, vector<16xf32>,
        %get3A_371 = arith.constant 48 : index
        %get3A_372 = tpu.vector_load %arg22[%get3A_371] {strides = array<i32>} : memref<256xf32, #tpu.memory_space<vmem>>, vector<16xf32>,
        %get3A_373 = arith.constant 64 : index
        %get3A_374 = tpu.vector_load %arg22[%get3A_373] {strides = array<i32>} : memref<256xf32, #tpu.memory_space<vmem>>, vector<16xf32>,
        %get3A_375 = arith.constant 80 : index
        %get3A_376 = tpu.vector_load %arg22[%get3A_375] {strides = array<i32>} : memref<256xf32, #tpu.memory_space<vmem>>, vector<16xf32>,
        %get3A_377 = arith.constant 96 : index
        %get3A_378 = tpu.vector_load %arg22[%get3A_377] {strides = array<i32>} : memref<256xf32, #tpu.memory_space<vmem>>, vector<16xf32>,
        %get3A_379 = arith.constant 112 : index
        %get3A_380 = tpu.vector_load %arg22[%get3A_379] {strides = array<i32>} : memref<256xf32, #tpu.memory_space<vmem>>, vector<16xf32>,
        %get3A_381 = arith.constant 128 : index
        %get3A_382 = tpu.vector_load %arg22[%get3A_381] {strides = array<i32>} : memref<256xf32, #tpu.memory_space<vmem>>, vector<16xf32>,
        %get3A_383 = arith.constant 144 : index
        %get3A_384 = tpu.vector_load %arg22[%get3A_383] {strides = array<i32>} : memref<256xf32, #tpu.memory_space<vmem>>, vector<16xf32>,
        %get3A_385 = arith.constant 160 : index
        %get3A_386 = tpu.vector_load %arg22[%get3A_385] {strides = array<i32>} : memref<256xf32, #tpu.memory_space<vmem>>, vector<16xf32>,
        %get3A_387 = arith.constant 176 : index
        %get3A_388 = tpu.vector_load %arg22[%get3A_387] {strides = array<i32>} : memref<256xf32, #tpu.memory_space<vmem>>, vector<16xf32>,
        %get3A_389 = arith.constant 192 : index
        %get3A_390 = tpu.vector_load %arg22[%get3A_389] {strides = array<i32>} : memref<256xf32, #tpu.memory_space<vmem>>, vector<16xf32>,
        %get3A_391 = arith.constant 208 : index
        %get3A_392 = tpu.vector_load %arg22[%get3A_391] {strides = array<i32>} : memref<256xf32, #tpu.memory_space<vmem>>, vector<16xf32>,
        %get3A_393 = arith.constant 224 : index
        %get3A_394 = tpu.vector_load %arg22[%get3A_393] {strides = array<i32>} : memref<256xf32, #tpu.memory_space<vmem>>, vector<16xf32>,
        %get3A_395 = arith.constant 240 : index
        %get3A_396 = tpu.vector_load %arg22[%get3A_395] {strides = array<i32>} : memref<256xf32, #tpu.memory_space<vmem>>, vector<16xf32>,
        %add3A_397 = arith.addf %get3A_366, %get3A_368 : vector<16xf32>
        %add3A_398 = arith.addf %get3A_370, %get3A_372 : vector<16xf32>
        %add3A_399 = arith.addf %get3A_374, %get3A_376 : vector<16xf32>
        %add3A_400 = arith.addf %get3A_378, %get3A_380 : vector<16xf32>
        %add3A_401 = arith.addf %get3A_382, %get3A_384 : vector<16xf32>
        %add3A_402 = arith.addf %get3A_386, %get3A_388 : vector<16xf32>
        %add3A_403 = arith.addf %get3A_390, %get3A_392 : vector<16xf32>
        %add3A_404 = arith.addf %get3A_394, %get3A_396 : vector<16xf32>
        %add3A_405 = arith.addf %add3A_397, %add3A_398 : vector<16xf32>
        %add3A_406 = arith.addf %add3A_399, %add3A_400 : vector<16xf32>
        %add3A_407 = arith.addf %add3A_401, %add3A_402 : vector<16xf32>
        %add3A_408 = arith.addf %add3A_403, %add3A_404 : vector<16xf32>
        %add3A_409 = arith.addf %add3A_405, %add3A_406 : vector<16xf32>
        %add3A_410 = arith.addf %add3A_407, %add3A_408 : vector<16xf32>
        %add3A_411 = arith.addf %add3A_409, %add3A_410 : vector<16xf32>
        %add3A_412 = arith.addf %add3A_411, %get3A_126 : vector<16xf32>
        %mul3A_413 = arith.constant 16 : i32
        %mul3A_414 = arith.muli %scan3A_358, %mul3A_413 : i32
        %swap3A = arith.index_cast %mul3A_414 : i32 to index
        %swap3A_415 = tpu.vector_load %arg16[%swap3A] {strides = array<i32>} : memref<200xf32, #tpu.memory_space<vmem>>, vector<16xf32>,
        tpu.vector_store %arg16[%swap3A], %add3A_412 {strides = array<i32>} : memref<200xf32, #tpu.memory_space<vmem>>, vector<16xf32>,
      }
      %scan3A_284 = arith.constant 12 : i32
      %scan3A_285 = arith.constant 0 : i32
      %scan3A_286 = arith.constant 0 : i32
      %scan3A_287 = arith.constant 8 : i32
      %scan3A_288 = arith.addi %scan3A_286, %scan3A_287 : i32
      %scan3A_289 = arith.constant 1 : i32
      scf.for %scan3A_358 = %scan3A_286 to %scan3A_288 step %scan3A_289  : i32 {
        %add3A_359 = arith.constant 192 : i32
        %add3A_360 = arith.addi %add3A_359, %scan3A_358 : i32
        %get3A_361 = arith.index_cast %add3A_360 : i32 to index
        %get3A_362 = arith.constant 0 : index
        %get3A_363 = tpu.vector_load %arg13[%get3A_361, %get3A_362] {strides = array<i32>} : memref<200x64xi32, #tpu.memory_space<vmem>>, vector<16xi32>,
        %bitcast3A_364 = vector.bitcast %get3A_363 : vector<16xi32> to vector<32xbf16>
        %get3A_365 = arith.index_cast %add3A_360 : i32 to index
        %get3A_366 = arith.constant 0 : index
        %get3A_367 = tpu.vector_load %arg14[%get3A_365, %get3A_366] {strides = array<i32>} : memref<200x64xi32, #tpu.memory_space<vmem>>, vector<16xi32>,
        %bitcast3A_368 = vector.bitcast %get3A_367 : vector<16xi32> to vector<32xbf16>
        %mul3A_369 = arith.mulf %bitcast3A_364, %pack3A : vector<32xbf16>
        %mul3A_370 = arith.mulf %mul3A_369, %bitcast3A_368 : vector<32xbf16>
        %unpack3A = tpu.unpack_subelements %mul3A_370, 0 {pack_format = #tpu.pack_format<interleaved>} : vector<32xbf16> -> vector<16xf32>
        %unpack3A_371 = tpu.unpack_subelements %mul3A_370, 1 {pack_format = #tpu.pack_format<interleaved>} : vector<32xbf16> -> vector<16xf32>
        %get3A_372 = arith.index_cast %add3A_360 : i32 to index
        %get3A_373 = arith.constant 16 : index
        %get3A_374 = tpu.vector_load %arg13[%get3A_372, %get3A_373] {strides = array<i32>} : memref<200x64xi32, #tpu.memory_space<vmem>>, vector<16xi32>,
        %bitcast3A_375 = vector.bitcast %get3A_374 : vector<16xi32> to vector<32xbf16>
        %get3A_376 = arith.index_cast %add3A_360 : i32 to index
        %get3A_377 = arith.constant 16 : index
        %get3A_378 = tpu.vector_load %arg14[%get3A_376, %get3A_377] {strides = array<i32>} : memref<200x64xi32, #tpu.memory_space<vmem>>, vector<16xi32>,
        %bitcast3A_379 = vector.bitcast %get3A_378 : vector<16xi32> to vector<32xbf16>
        %mul3A_380 = arith.mulf %bitcast3A_375, %pack3A_110 : vector<32xbf16>
        %mul3A_381 = arith.mulf %mul3A_380, %bitcast3A_379 : vector<32xbf16>
        %unpack3A_382 = tpu.unpack_subelements %mul3A_381, 0 {pack_format = #tpu.pack_format<interleaved>} : vector<32xbf16> -> vector<16xf32>
        %unpack3A_383 = tpu.unpack_subelements %mul3A_381, 1 {pack_format = #tpu.pack_format<interleaved>} : vector<32xbf16> -> vector<16xf32>
        %add3A_384 = arith.addf %unpack3A, %unpack3A_382 : vector<16xf32>
        %add3A_385 = arith.addf %unpack3A_371, %unpack3A_383 : vector<16xf32>
        %get3A_386 = arith.index_cast %add3A_360 : i32 to index
        %get3A_387 = arith.constant 32 : index
        %get3A_388 = tpu.vector_load %arg13[%get3A_386, %get3A_387] {strides = array<i32>} : memref<200x64xi32, #tpu.memory_space<vmem>>, vector<16xi32>,
        %bitcast3A_389 = vector.bitcast %get3A_388 : vector<16xi32> to vector<32xbf16>
        %get3A_390 = arith.index_cast %add3A_360 : i32 to index
        %get3A_391 = arith.constant 32 : index
        %get3A_392 = tpu.vector_load %arg14[%get3A_390, %get3A_391] {strides = array<i32>} : memref<200x64xi32, #tpu.memory_space<vmem>>, vector<16xi32>,
        %bitcast3A_393 = vector.bitcast %get3A_392 : vector<16xi32> to vector<32xbf16>
        %mul3A_394 = arith.mulf %bitcast3A_389, %pack3A_117 : vector<32xbf16>
        %mul3A_395 = arith.mulf %mul3A_394, %bitcast3A_393 : vector<32xbf16>
        %unpack3A_396 = tpu.unpack_subelements %mul3A_395, 0 {pack_format = #tpu.pack_format<interleaved>} : vector<32xbf16> -> vector<16xf32>
        %unpack3A_397 = tpu.unpack_subelements %mul3A_395, 1 {pack_format = #tpu.pack_format<interleaved>} : vector<32xbf16> -> vector<16xf32>
        %add3A_398 = arith.addf %add3A_384, %unpack3A_396 : vector<16xf32>
        %add3A_399 = arith.addf %add3A_385, %unpack3A_397 : vector<16xf32>
        %get3A_400 = arith.index_cast %add3A_360 : i32 to index
        %get3A_401 = arith.constant 48 : index
        %get3A_402 = tpu.vector_load %arg13[%get3A_400, %get3A_401] {strides = array<i32>} : memref<200x64xi32, #tpu.memory_space<vmem>>, vector<16xi32>,
        %bitcast3A_403 = vector.bitcast %get3A_402 : vector<16xi32> to vector<32xbf16>
        %get3A_404 = arith.index_cast %add3A_360 : i32 to index
        %get3A_405 = arith.constant 48 : index
        %get3A_406 = tpu.vector_load %arg14[%get3A_404, %get3A_405] {strides = array<i32>} : memref<200x64xi32, #tpu.memory_space<vmem>>, vector<16xi32>,
        %bitcast3A_407 = vector.bitcast %get3A_406 : vector<16xi32> to vector<32xbf16>
        %mul3A_408 = arith.mulf %bitcast3A_403, %pack3A_124 : vector<32xbf16>
        %mul3A_409 = arith.mulf %mul3A_408, %bitcast3A_407 : vector<32xbf16>
        %unpack3A_410 = tpu.unpack_subelements %mul3A_409, 0 {pack_format = #tpu.pack_format<interleaved>} : vector<32xbf16> -> vector<16xf32>
        %unpack3A_411 = tpu.unpack_subelements %mul3A_409, 1 {pack_format = #tpu.pack_format<interleaved>} : vector<32xbf16> -> vector<16xf32>
        %add3A_412 = arith.addf %add3A_398, %unpack3A_410 : vector<16xf32>
        %add3A_413 = arith.addf %add3A_399, %unpack3A_411 : vector<16xf32>
        %add3A_414 = arith.addf %add3A_412, %add3A_413 : vector<16xf32>
        %mul3A_415 = arith.constant 16 : i32
        %mul3A_416 = vector.broadcast %mul3A_415 : i32 to vector<16xi32>
        %mul3A_417 = arith.muli %iota3A, %mul3A_416 : vector<16xi32>
        %add3A_418 = vector.broadcast %scan3A_358 : i32 to vector<16xi32>
        %add3A_419 = arith.addi %mul3A_417, %add3A_418 : vector<16xi32>
        tpu.vector_store_idx %arg22[%add3A_419], %add3A_414 : memref<256xf32, #tpu.memory_space<vmem>>[vector<16xi32>], vector<16xf32>,
      }
      %scan3A_290 = arith.constant 8 : i32
      %add3A_291 = arith.constant 192 : i32
      %add3A_292 = vector.broadcast %add3A_291 : i32 to vector<16xi32>
      %add3A_293 = arith.addi %add3A_292, %iota3A : vector<16xi32>
      %get3A_294 = arith.constant 0 : index
      %get3A_295 = tpu.vector_load %arg22[%get3A_294] {strides = array<i32>} : memref<256xf32, #tpu.memory_space<vmem>>, vector<16xf32>,
      %get3A_296 = arith.constant 16 : index
      %get3A_297 = tpu.vector_load %arg22[%get3A_296] {strides = array<i32>} : memref<256xf32, #tpu.memory_space<vmem>>, vector<16xf32>,
      %get3A_298 = arith.constant 32 : index
      %get3A_299 = tpu.vector_load %arg22[%get3A_298] {strides = array<i32>} : memref<256xf32, #tpu.memory_space<vmem>>, vector<16xf32>,
      %get3A_300 = arith.constant 48 : index
      %get3A_301 = tpu.vector_load %arg22[%get3A_300] {strides = array<i32>} : memref<256xf32, #tpu.memory_space<vmem>>, vector<16xf32>,
      %get3A_302 = arith.constant 64 : index
      %get3A_303 = tpu.vector_load %arg22[%get3A_302] {strides = array<i32>} : memref<256xf32, #tpu.memory_space<vmem>>, vector<16xf32>,
      %get3A_304 = arith.constant 80 : index
      %get3A_305 = tpu.vector_load %arg22[%get3A_304] {strides = array<i32>} : memref<256xf32, #tpu.memory_space<vmem>>, vector<16xf32>,
      %get3A_306 = arith.constant 96 : index
      %get3A_307 = tpu.vector_load %arg22[%get3A_306] {strides = array<i32>} : memref<256xf32, #tpu.memory_space<vmem>>, vector<16xf32>,
      %get3A_308 = arith.constant 112 : index
      %get3A_309 = tpu.vector_load %arg22[%get3A_308] {strides = array<i32>} : memref<256xf32, #tpu.memory_space<vmem>>, vector<16xf32>,
      %get3A_310 = arith.constant 128 : index
      %get3A_311 = tpu.vector_load %arg22[%get3A_310] {strides = array<i32>} : memref<256xf32, #tpu.memory_space<vmem>>, vector<16xf32>,
      %get3A_312 = arith.constant 144 : index
      %get3A_313 = tpu.vector_load %arg22[%get3A_312] {strides = array<i32>} : memref<256xf32, #tpu.memory_space<vmem>>, vector<16xf32>,
      %get3A_314 = arith.constant 160 : index
      %get3A_315 = tpu.vector_load %arg22[%get3A_314] {strides = array<i32>} : memref<256xf32, #tpu.memory_space<vmem>>, vector<16xf32>,
      %get3A_316 = arith.constant 176 : index
      %get3A_317 = tpu.vector_load %arg22[%get3A_316] {strides = array<i32>} : memref<256xf32, #tpu.memory_space<vmem>>, vector<16xf32>,
      %get3A_318 = arith.constant 192 : index
      %get3A_319 = tpu.vector_load %arg22[%get3A_318] {strides = array<i32>} : memref<256xf32, #tpu.memory_space<vmem>>, vector<16xf32>,
      %get3A_320 = arith.constant 208 : index
      %get3A_321 = tpu.vector_load %arg22[%get3A_320] {strides = array<i32>} : memref<256xf32, #tpu.memory_space<vmem>>, vector<16xf32>,
      %get3A_322 = arith.constant 224 : index
      %get3A_323 = tpu.vector_load %arg22[%get3A_322] {strides = array<i32>} : memref<256xf32, #tpu.memory_space<vmem>>, vector<16xf32>,
      %get3A_324 = arith.constant 240 : index
      %get3A_325 = tpu.vector_load %arg22[%get3A_324] {strides = array<i32>} : memref<256xf32, #tpu.memory_space<vmem>>, vector<16xf32>,
      %add3A_326 = arith.addf %get3A_295, %get3A_297 : vector<16xf32>
      %add3A_327 = arith.addf %get3A_299, %get3A_301 : vector<16xf32>
      %add3A_328 = arith.addf %get3A_303, %get3A_305 : vector<16xf32>
      %add3A_329 = arith.addf %get3A_307, %get3A_309 : vector<16xf32>
      %add3A_330 = arith.addf %get3A_311, %get3A_313 : vector<16xf32>
      %add3A_331 = arith.addf %get3A_315, %get3A_317 : vector<16xf32>
      %add3A_332 = arith.addf %get3A_319, %get3A_321 : vector<16xf32>
      %add3A_333 = arith.addf %get3A_323, %get3A_325 : vector<16xf32>
      %add3A_334 = arith.addf %add3A_326, %add3A_327 : vector<16xf32>
      %add3A_335 = arith.addf %add3A_328, %add3A_329 : vector<16xf32>
      %add3A_336 = arith.addf %add3A_330, %add3A_331 : vector<16xf32>
      %add3A_337 = arith.addf %add3A_332, %add3A_333 : vector<16xf32>
      %add3A_338 = arith.addf %add3A_334, %add3A_335 : vector<16xf32>
      %add3A_339 = arith.addf %add3A_336, %add3A_337 : vector<16xf32>
      %add3A_340 = arith.addf %add3A_338, %add3A_339 : vector<16xf32>
      %add3A_341 = arith.addf %add3A_340, %get3A_126 : vector<16xf32>
      %lt3A_342 = arith.constant 8 : i32
      %lt3A_343 = vector.broadcast %lt3A_342 : i32 to vector<16xi32>
      %lt3A_344 = arith.cmpi slt, %iota3A, %lt3A_343 : vector<16xi32>
      tpu.vector_store_idx %arg16[%add3A_293], %add3A_341 masked %lt3A_344 : memref<200xf32, #tpu.memory_space<vmem>>[vector<16xi32>], vector<16xf32>, vector<16xi1>
      %add3A_345 = arith.constant 2 : i32
      %add3A_346 = arith.addi %add3A_261, %add3A_345 : i32
      %lt3A_347 = arith.constant 50 : i32
      %lt3A_348 = arith.cmpi slt, %add3A_346, %lt3A_347 : i32
      %convert_element_type3A_349 = arith.extui %lt3A_348 : i1 to i32
      %cond3A_350 = arith.constant 0 : i32
      %cond3A_351 = arith.cmpi ne, %convert_element_type3A_349, %cond3A_350 : i32
      scf.if %cond3A_351 {
        %add3A_358 = arith.constant 2 : i32
        %add3A_359 = arith.addi %add3A_261, %add3A_358 : i32
        %mul3A_360 = arith.constant 200 : i32
        %mul3A_361 = arith.muli %add3A_359, %mul3A_360 : i32
        %dma_start3A_362 = tpu.memref_slice %arg9[%mul3A_361] : memref<10000xi32, #tpu.memory_space<vmem>> -> memref<200xi32, #tpu.memory_space<vmem>>
        %dma_start3A_363 = arith.constant 0 : i32
        %dma_start3A_364 = arith.constant 0 : i32
        %dma_start3A_365 = tpu.memref_slice %arg8[%dma_start3A_363, %dma_start3A_364] : memref<10000x64xi32, #tpu.memory_space<hbm>> -> memref<10000x64xi32, #tpu.memory_space<hbm>>
        tpu.enqueue_indirect_dma source(%dma_start3A_365 : memref<10000x64xi32, #tpu.memory_space<hbm>>) target(%arg13 : memref<200x64xi32, #tpu.memory_space<vmem>>) offsets(%dma_start3A_362 : memref<200xi32, #tpu.memory_space<vmem>>) semaphore(%arg25 : memref<!tpu.dma_semaphore, #tpu.memory_space<semaphore_mem>>)
        %dma_start3A_366 = tpu.memref_slice %arg10[%mul3A_361] : memref<10000xi32, #tpu.memory_space<vmem>> -> memref<200xi32, #tpu.memory_space<vmem>>
        %dma_start3A_367 = arith.constant 0 : i32
        %dma_start3A_368 = arith.constant 0 : i32
        %dma_start3A_369 = tpu.memref_slice %arg8[%dma_start3A_367, %dma_start3A_368] : memref<10000x64xi32, #tpu.memory_space<hbm>> -> memref<10000x64xi32, #tpu.memory_space<hbm>>
        tpu.enqueue_indirect_dma source(%dma_start3A_369 : memref<10000x64xi32, #tpu.memory_space<hbm>>) target(%arg14 : memref<200x64xi32, #tpu.memory_space<vmem>>) offsets(%dma_start3A_366 : memref<200xi32, #tpu.memory_space<vmem>>) semaphore(%arg26 : memref<!tpu.dma_semaphore, #tpu.memory_space<semaphore_mem>>)
      } else {
      }
      %mul3A_352 = arith.constant 200 : i32
      %mul3A_353 = arith.muli %add3A_261, %mul3A_352 : i32
      %add3A_354 = arith.addi %multiple_of3A, %mul3A_353 : i32
      %multiple_of3A_355 = tpu.assume_multiple %add3A_354, 8 : i32
      %dma_start3A_356 = tpu.memref_slice %arg7[%multiple_of3A_355] : memref<320000xf32, #tpu.memory_space<hbm>> -> memref<200xf32, #tpu.memory_space<hbm>>
      %dma_start3A_357 = tpu.memref_slice %arg7[%multiple_of3A_355] : memref<320000xf32, #tpu.memory_space<hbm>> -> memref<200xf32, #tpu.memory_space<hbm>>
      tpu.enqueue_dma source(%arg16 : memref<200xf32, #tpu.memory_space<vmem>>) target(%dma_start3A_357 : memref<200xf32, #tpu.memory_space<hbm>>) target_semaphore(%arg28 : memref<!tpu.dma_semaphore, #tpu.memory_space<semaphore_mem>>)
    }
    %scan3A_152 = arith.constant 25 : i32
    %dma_wait3A_153 = arith.constant 0 : i32
    %dma_wait3A_154 = tpu.memref_slice %arg7[%dma_wait3A_153] : memref<320000xf32, #tpu.memory_space<hbm>> -> memref<200xf32, #tpu.memory_space<hbm>>
    %dma_wait3A_155 = arith.constant 0 : i32
    %dma_wait3A_156 = tpu.memref_slice %arg7[%dma_wait3A_155] : memref<320000xf32, #tpu.memory_space<hbm>> -> memref<200xf32, #tpu.memory_space<hbm>>
    tpu.wait_dma2 semaphore(%arg27 : memref<!tpu.dma_semaphore, #tpu.memory_space<semaphore_mem>>) src(%arg15 : memref<200xf32, #tpu.memory_space<vmem>>) dst(%dma_wait3A_156 : memref<200xf32, #tpu.memory_space<hbm>>)
    %dma_wait3A_157 = arith.constant 0 : i32
    %dma_wait3A_158 = tpu.memref_slice %arg7[%dma_wait3A_157] : memref<320000xf32, #tpu.memory_space<hbm>> -> memref<200xf32, #tpu.memory_space<hbm>>
    %dma_wait3A_159 = arith.constant 0 : i32
    %dma_wait3A_160 = tpu.memref_slice %arg7[%dma_wait3A_159] : memref<320000xf32, #tpu.memory_space<hbm>> -> memref<200xf32, #tpu.memory_space<hbm>>
    tpu.wait_dma2 semaphore(%arg28 : memref<!tpu.dma_semaphore, #tpu.memory_space<semaphore_mem>>) src(%arg16 : memref<200xf32, #tpu.memory_space<vmem>>) dst(%dma_wait3A_160 : memref<200xf32, #tpu.memory_space<hbm>>)
    return
  }
}

</mosaic_0001>

<sc_bundles>
// kernel: distmult_sc.3.cloned.1.call-start
scs
__scs_entry_jumppad:
0x0: {  	(pc) =	sbr.rel $0x88, $3  }
0x1: {  	(tag) =	ssettag $0x0;
	lr =	simm.s32 $0x1  }
0x2: {  	[smem:$0x3F9C] =	sst lr;
	_ =	strace $0xD0000000  }
0x3: {  	_ = 	snop  }
0x4: {  	_ = 	snop  }
0x5: {  	_ = 	snop  }
0x6: {  	_ = 	snop  }
0x7: {  	_ = 	snop  }
__scs_overlays_trampoline_lowered:
0x8: {  	[smem:$0x3FAB] =	sst s0  }
0x9: {  	[smem:$0x3FAC] =	sst s1  }
0xa: {  	[smem:$0x3FAD] =	sst s2  }
0xb: {  	[smem:$0x3FAE] =	sst s3  }
0xc: {  	[smem:$0x3FAF] =	sst s4  }
0xd: {  	[smem:$0x3FB0] =	sst s5  }
0xe: {  	[smem:$0x3FB1] =	sst s6  }
0xf: {  	[smem:$0x3FB2] =	sst s7  }
0x10: {  	[smem:$0x3FB3] =	sst s8  }
0x11: {  	[smem:$0x3FB4] =	sst s9;
	s0 =	simm.s32 @!p0 $0x0  }
0x12: {  	s1 =	sld [smem:$0x3F9A];
	s0 =	simm.s32 @p0 $0x1  }
0x13: {  	[smem:$0x3FB5] =	sst s0;
	s0 =	simm.s32 @!p1 $0x0  }
0x14: {  	s2 =	sld [smem:$0x3F99];
	s0 =	simm.s32 @p1 $0x1  }
0x15: {  	[smem:$0x3FB6] =	sst s0;
	s0 =	simm.s32 @!p2 $0x0  }
0x16: {  	s3 =	sld [smem:$0x3FDB];
	s0 =	simm.s32 @p2 $0x1  }
0x17: {  	s4 =	simm.s32 $0x1BF5;
	[smem:$0x3FB8] =	sst s0  }
0x18: {  	s0 =	sld [smem:$0x3F9B];
	_ =	swait.ge [sflag:s4], $0x0  }
0x19: {  	s7 =	sld [smem:$0x3F9C]  }
0x1a: {  	s8 =	sadd.s32 $0xFFFFE003, lr  }
0x1b: {  	s9 =	sadd.s32 $0xFFFFFEF7, lr;
	s5 =	simm.s32 $0xFFFFFFFF;
	p2 =	slt.u32 s8, $0xFFFFF086  }
0x1c: {  	p1 =	slt.u32 s9, $0xF7A;
	s5 =	simm.s32 @!p2 $0x0  }
0x1d: {  	s5 =	simm.s32 @p1 $0x1;
	p0 =	seq.s32 s7, s2  }
0x1e: {  	s7 =	smul.u32 @!p0 $0xF7A, s2;
	p2 =	seq.s32 @!p0 s5, $0x0  }
0x1f: {  	s9 =	smul.u32 $0xF7A, s1;
	s8 =	simm.s32 @!p0 $0x1BF5;
	p2 =	por !p2, p0  }
0x20: {  	[sflag:s8] =	ssyncset.s32 @!p0 $0xFFFFF086;
	s6 =	sadd.s32 @!p0 s3, s7;
	s7 =	simm.s32 @!p0 $0x108  }
0x21: {  	s3 =	sadd.s32 s3, s9;
	s6 =	sadd.s32 @!p0 $0x88, s6;
	s7 =	simm.s32 @p2 $0x1082  }
0x22: {  	[simem:s7], [sflag:s8] =	dma.local @!p0 [hbm:s6], $0xF7A  }
0x23: {  	s9 =	sor.u32 $0xD0000000, s2;
	s6 =	simm.s32 $0x108;
	_ =	swait.ge @!p0 [sflag:s8], $0x0  }
0x24: {  	s3 =	sadd.s32 $0x88, s3;
	s6 =	simm.s32 @!p1 $0x1082;
	[sflag:s4] =	ssyncset.s32 $0xFFFFF086  }
0x25: {  	[simem:s6], [sflag:s4] =	dma.local [hbm:s3], $0xF7A  }
0x26: {  	[smem:$0x3F9C] =	sst s1;
	(tag) =	ssettag s2;
	_ =	strace s9  }
0x27: {  	s1 =	sld [smem:$0x3FAC]  }
0x28: {  	s2 =	sld [smem:$0x3FAD]  }
0x29: {  	s4 =	sld [smem:$0x3FAF]  }
0x2a: {  	p0 =	seq.s32 s5, $0x0;
	s5 =	sld [smem:$0x3FB0]  }
0x2b: {  	s6 =	sld [smem:$0x3FB1]  }
0x2c: {  	s7 =	sld [smem:$0x3FB2]  }
0x2d: {  	s3 =	simm.s32 $0x108;
	s8 =	sld [smem:$0x3FB3]  }
0x2e: {  	s3 =	simm.s32 @!p0 $0x1082;
	s9 =	sld [smem:$0x3FB4]  }
0x2f: {  	lr =	sadd.s32 s0, s3;
	s0 =	sld [smem:$0x3FAB]  }
0x30: {  	s3 =	sld [smem:$0x3FAE]  }
0x31: {  	[smem:$0x3FB7] =	sst s10  }
0x32: {  	s10 =	sld [smem:$0x3FB5];
	_ =	sdelay $0x3  }
0x33: {  	p0 =	seq.s32 s10, $0x1;
	s10 =	sld [smem:$0x3FB7];
	_ =	sdelay $0x3  }
0x34: {  	[smem:$0x3FB7] =	sst s10  }
0x35: {  	s10 =	sld [smem:$0x3FB6];
	_ =	sdelay $0x3  }
0x36: {  	p1 =	seq.s32 s10, $0x1;
	s10 =	sld [smem:$0x3FB7];
	_ =	sdelay $0x3  }
0x37: {  	[smem:$0x3FB7] =	sst s10  }
0x38: {  	s10 =	sld [smem:$0x3FB8]  }
0x39: {  	_ = 	snop;
	(pc) =	sbr.ind lr, $3  }
0x3a: {  	_ = 	snop  }
0x3b: {  	_ = 	snop  }
0x3c: {  	p2 =	seq.s32 s10, $0x1;
	s10 =	sld [smem:$0x3FB7]  }
0x3d: {  	_ =	shalt  }
0x3e: {  	_ =	shalt  }
0x3f: {  	_ =	shalt  }
0x40: {  	_ =	shalt  }
0x41: {  	_ =	shalt  }
0x42: {  	_ =	shalt  }
0x43: {  	_ =	shalt  }
0x44: {  	_ =	shalt  }
0x45: {  	_ =	shalt  }
0x46: {  	_ =	shalt  }
0x47: {  	_ =	shalt  }
0x48: {  	_ =	shalt  }
0x49: {  	_ =	shalt  }
0x4a: {  	_ =	shalt  }
0x4b: {  	_ =	shalt  }
0x4c: {  	_ =	shalt  }
0x4d: {  	_ =	shalt  }
0x4e: {  	_ =	shalt  }
0x4f: {  	_ =	shalt  }
0x50: {  	_ =	shalt  }
0x51: {  	_ =	shalt  }
0x52: {  	_ =	shalt  }
0x53: {  	_ =	shalt  }
0x54: {  	_ =	shalt  }
0x55: {  	_ =	shalt  }
0x56: {  	_ =	shalt  }
0x57: {  	_ =	shalt  }
0x58: {  	_ =	shalt  }
0x59: {  	_ =	shalt  }
0x5a: {  	_ =	shalt  }
0x5b: {  	_ =	shalt  }
0x5c: {  	_ =	shalt  }
0x5d: {  	_ =	shalt  }
0x5e: {  	_ =	shalt  }
0x5f: {  	_ =	shalt  }
0x60: {  	_ =	shalt  }
0x61: {  	_ =	shalt  }
0x62: {  	_ =	shalt  }
0x63: {  	_ =	shalt  }
0x64: {  	_ =	shalt  }
0x65: {  	_ =	shalt  }
0x66: {  	_ =	shalt  }
0x67: {  	_ =	shalt  }
0x68: {  	_ =	shalt  }
0x69: {  	_ =	shalt  }
0x6a: {  	_ =	shalt  }
0x6b: {  	_ =	shalt  }
0x6c: {  	_ =	shalt  }
0x6d: {  	_ =	shalt  }
0x6e: {  	_ =	shalt  }
0x6f: {  	_ =	shalt  }
0x70: {  	_ =	shalt  }
0x71: {  	_ =	shalt  }
0x72: {  	_ =	shalt  }
0x73: {  	_ =	shalt  }
0x74: {  	_ =	shalt  }
0x75: {  	_ =	shalt  }
0x76: {  	_ =	shalt  }
0x77: {  	_ =	shalt  }
0x78: {  	_ =	shalt  }
0x79: {  	_ =	shalt  }
0x7a: {  	_ =	shalt  }
0x7b: {  	_ =	shalt  }
0x7c: {  	_ =	shalt  }
0x7d: {  	_ =	shalt  }
0x7e: {  	_ =	shalt  }
0x7f: {  	_ =	shalt  }
0x80: {  	_ =	shalt  }
0x81: {  	_ =	shalt  }
0x82: {  	_ =	shalt  }
0x83: {  	_ =	shalt  }
0x84: {  	_ =	shalt  }
0x85: {  	_ =	shalt  }
0x86: {  	_ =	shalt  }
0x87: {  	_ =	shalt  }
.Lfunc_end0:
.L_simem_size_0:
called_computation_lowered:
.L_overlay_start_0:
0x88: {  	s2 =	sld [smem:$0x3FD9]  }
0x89: {  	s3 =	sld [smem:$0x3FFE];
	_ =	sdelay $0x1  }
0x8a: {  	s1 =	srdreg.scid  }
0x8b: {  	s0 =	sand.u32 $0x1, s1  }
0x8c: {  	s17 =	sshll.u32 s0, $0xA;
	s2 =	sadd.s32 s3, s2  }
0x8d: {  	s2 =	sadd.s32 s2, s17  }
0x8e: {  	[smem:$0x3FC3] =	sst s2  }
0x8f: {  	_ = 	snop  }
0x90: {  	s2 =	sld [smem:$0x3FC9]  }
0x91: {  	s18 =	sld [smem:$0x3FC8]  }
0x92: {  	s4 =	sld [smem:$0x3FC7]  }
0x93: {  	s5 =	sld [smem:$0x3FC6]  }
0x94: {  	s6 =	sld [smem:$0x3FC5]  }
0x95: {  	s7 =	sld [smem:$0x3FD0];
	(tm) =	ssettm $0x1  }
0x96: {  	s8 =	sld [smem:$0x3FFB];
	_ =	sdelay $0x3  }
0x97: {  	_ =	strace s8  }
0x98: {  	s8 =	sld [smem:$0x3FFC];
	_ =	sdelay $0x3  }
0x99: {  	_ =	strace s8  }
0x9a: {  	s8 =	sld [smem:$0x3FFD];
	_ =	sdelay $0x3  }
0x9b: {  	_ =	strace s8  }
0x9c: {  	_ =	strace $0x8FFFFFFF  }
0x9d: {  	s19 =	sld [smem:$0x3FDB];
	_ =	sdelay $0x1  }
0x9e: {  	s9 =	simm.s32 $_scs_section_size  }
0x9f: {  	s10 =	simm.s32 $_size__tile_overlayer_lowered;
	s11 =	simm.s32 $_tile_overlayer_lowered  }
0xa0: {  	s22 =	simm.s32 $0x1BFF;
	s21 =	sshll.u32 s11, $0x1;
	s8 =	sadd.s32 s9, s19  }
0xa1: {  	s12 =	simm.s32 $0x0;
	s20 =	sshll.u32 s10, $0x1;
	s10 =	sadd.s32 s21, s8  }
0xa2: {  	[timem:s12], [sflag:s22] =	dma.local [hbm:s10], s20  }
0xa3: {  	_ =	swait.ge [sflag:s22], s20  }
0xa4: {  	s9 =	ssub.s32 $0x0, s20;
	[sflag:s22] =	ssyncset.done $0x0  }
0xa5: {  	[sflag:s22] =	ssyncadd.s32 s9;
	_ =	sdelay $0x1  }
0xa6: {  	s23 =	simm.s32 $0x1B8B  }
0xa7: {  	_ =	swait.ge [sflag:s23], $0x1  }
0xa8: {  	[sflag:s23] =	ssyncset.done $0x0  }
0xa9: {  	s25 =	simm.s32 $0x1B8E;
	s24 =	sld [smem:$0x3FFE];
	[sflag:s23] =	ssyncadd.s32 $0xFFFFFFFF  }
0xaa: {  	s26 =	simm.s32 $execute0_lowered;
	[smem:$0x3FD2] =	sst s25  }
0xab: {  	s10 =	sshll.u32 s26, $0x1;
	_ =	strace $0x80000046;
	[dreg:$0x1] =	wrdreg $0xFFFFFFFF  }
0xac: {  	s28 =	simm.s32 $_size_execute0_lowered;
	s8 =	sadd.s32 s8, s10;
	[dreg:$0x0] =	wrdreg $0x0  }
0xad: {  	s10 =	sshll.u32 s28, $0x1;
	[dreg:$0x2] =	wrdreg s8  }
0xae: {  	[dreg:$0x3] =	wrdreg s10  }
0xaf: {  	[dreg:$0x4] =	wrdreg $0xC0  }
0xb0: {  	_ =	task [dreg:s12], $0x5FFFF  }
0xb1: {  	[dreg:$0x1] =	wrdreg $0xFFFFFFFF  }
0xb2: {  	[dreg:$0x0] =	wrdreg $0x60  }
0xb3: {  	[dreg:$0x2] =	wrdreg s2  }
0xb4: {  	[dreg:$0x3] =	wrdreg s18  }
0xb5: {  	[dreg:$0x4] =	wrdreg s4  }
0xb6: {  	[dreg:$0x5] =	wrdreg s5  }
0xb7: {  	[dreg:$0x6] =	wrdreg s6  }
0xb8: {  	[dreg:$0x7] =	wrdreg s7  }
0xb9: {  	[dreg:$0x8] =	wrdreg s24  }
0xba: {  	[dreg:$0x9] =	wrdreg $0x9  }
0xbb: {  	_ =	task.clear_ibuf [dreg:s12], $0xAFFFF;
	_ =	strace $0x90000046  }
0xbc: {  	s29 =	simm.s32 $0x9;
	_ =	strace $0x80000048  }
0xbd: {  	_ =	swait.ge [sflag:s29], $0x1  }
0xbe: {  	[sflag:s29] =	ssyncadd.s32 $0xFFFFFFFF  }
0xbf: {  	_ =	strace $0x90000048  }
0xc0: {  	_ =	sfence  }
0xc1: {  	s30 =	sld [smem:$0x0];
	_ =	sdelay $0x2  }
0xc2: {  	s31 =	sshll.u32 s1, $0xD;
	s1 =	sshrl.u32 s1, $0x2  }
0xc3: {  	s3 =	sand.u32 $0x4000, s31;
	s1 =	sadd.s32 s1, s30  }
0xc4: {  	s0 =	sor.u32 s3, s0;
	s1 =	sshll.u32 s1, $0x11  }
0xc5: {  	s0 =	sor.u32 s1, s0  }
0xc6: {  	s0 =	sadd.s32 $0x8F2B, s0  }
0xc7: {  	[sflag:s0] =	ssyncadd.remote.s32 $0x1  }
0xc8: {  	_ =	sfence.sel $0xFFFF  }
0xc9: {  	[dreg:$0x0] =	wrdreg $0xFFFFFFFF;
	(pc) =	sbr.abs _section_cstart, $3  }
0xca: {  	[dreg:$0x1] =	wrdreg $0xFFFFFFFF  }
0xcb: {  	_ =	task.clear_ibuf [dreg:s12], $0x2FFFF;
	_ =	strace $0x9FFFFFFF  }
0xcc: {  	(tm) =	ssettm $0x7FFFFFFF  }
0xcd: {  	_ =	shalt  }
tec
execute0_lowered:
.L_overlay_start_1:
0x0: {  	(tag) =	ssettag $0x1  }
0x1: {  	s0 =	rddreg [dreg:$0x0]  }
0x2: {  	s1 =	rddreg [dreg:$0x1]  }
0x3: {  	s2 =	rddreg [dreg:$0x2]  }
0x4: {  	s4 =	rddreg [dreg:$0x5]  }
0x5: {  	s3 =	srdreg.scid;
	s11 =	stileid.u32  }
0x6: {  	s7 =	rddreg [dreg:$0x6];
	s5 =	simm.s32 $0x0;
	s28 =	simm.s32 $0x8  }
0x7: {  	s29 =	simm.s32 $0x11620;
	s30 =	simm.s32 $0x3;
	s8 =	smul.u32 $0x271, s11  }
0x8: {  	s3 =	sand.u32 $0x1, s3;
	s6 =	sshll.u32 s11, $0x1;
	s10 =	smul.u32 $0x2710, s11  }
0x9: {  	[smem:$0x7FF] =	sst s5;
	s7 =	sadd.s32 $0x800, s7;
	s11 =	smul.u32 $0x1388, s11  }
0xa: {  	s6 =	sor.u32 s3, s6;
	_ =	strace $0x80000047;
	s3 =	ssub.s32 $0x2, s3  }
0xb: {  	s6 =	smul.u32 $0x2710, s6;
	s9 =	sshrl.u32 s3, $0x1;
	s14 =	sadd.s32 $0x7D, s8  }
0xc: {  	s10 =	sadd.s32 s0, s10;
	s12 =	sadd.s32 $0xFA, s8;
	s16 =	sadd.s32 s7, s11  }
0xd: {  	s18 =	sadd.s32 $0x177, s8;
	s8 =	sadd.s32 $0x1F4, s8;
	s11 =	simm.s32 $0x6  }
0xe: {  	s3 =	ssub.s32 s3, s9;
	[dreg:$0x8] =	wrdreg s10;
	s15 =	sshll.u32 s14, $0x4  }
0xf: {  	[dreg:$0xa] =	wrdreg s16;
	s17 =	sshll.u32 s12, $0x4;
	s9 =	sshll.u32 s14, $0x3  }
0x10: {  	s19 =	sshll.u32 s18, $0x4;
	s20 =	sshll.u32 s12, $0x3;
	s21 =	sshll.u32 s8, $0x4  }
0x11: {  	s22 =	sshll.u32 s18, $0x3;
	s23 =	sshll.u32 s8, $0x3;
	s10 =	sadd.s32 s0, s15  }
0x12: {  	s8 =	simm.s32 $0x4;
	s9 =	sadd.s32 s7, s9;
	[dreg:$0x9] =	wrdreg s10  }
0x13: {  	s12 =	simm.s32 $0x0;
	s31 =	smax.u32 s3, $0x1;
	[dreg:$0xc] =	wrdreg s9  }
0x14: {  	s24 =	sshrl.u32 s6, $0x3;
	s10 =	sadd.s32 s0, s17;
	[dreg:$0x14] =	wrdreg s31  }
0x15: {  	s3 =	simm.s32 $0xC8;
	s9 =	sadd.s32 s0, s19;
	[dreg:$0xb] =	wrdreg s10  }
0x16: {  	s0 =	sadd.s32 s0, s21;
	s25 =	sadd.s32 s1, s24;
	[dreg:$0xd] =	wrdreg s9  }
0x17: {  	s26 =	sadd.s32 s2, s24;
	s17 =	simm.s32 $0x15630;
	[dreg:$0xf] =	wrdreg s0  }
0x18: {  	s1 =	simm.s32 $0x2;
	s2 =	simm.s32 $0x1B480;
	[dreg:$0x12] =	wrdreg s25  }
0x19: {  	s9 =	sadd.s32 s7, s20;
	s0 =	sadd.s32 s7, s22;
	[dreg:$0x13] =	wrdreg s26  }
0x1a: {  	s20 =	sadd.s32 $0xC8, s6;
	s22 =	simm.s32 $0x117B0;
	s25 =	simm.s32 $0x194B0  }
0x1b: {  	s26 =	simm.s32 $0x9;
	s10 =	simm.s32 $0x5;
	[dreg:$0xe] =	wrdreg s9  }
0x1c: {  	v1 =	vlaneseq.u32;
	[dreg:$0x10] =	wrdreg s0;
	s0 =	sadd.s32 s7, s23;
	s23 =	simm.s32 $0x7  }
0x1d: {  	v0 =	vmul.u32 $0x10, v1;
	v1 =	vor.u32 $0xC0, v1;
	s9 =	simm.s32 $0x116E8;
	[dreg:$0x11] =	wrdreg s0;
	s0 =	simm.s32 $0x1  }
.LBB2_1:
0x1e: {  	s13 =	rddreg [dreg:$0x8]  }
0x1f: {  	[tilespmem:s22], [sflag:$0x7] =	stream.linear.gather [hbm4b:s13+s5], $0x3E80, $0x38;
	[tilespmem:$0x1B580] =	vst v63  }
0x20: {  	_ =	swait.ge [sflag:s23], $0x3E80  }
0x21: {  	[sflag:s23] =	ssyncset.done $0x0  }
0x22: {  	s13 =	simm.s32 $0x117F0;
	s31 =	rddreg [dreg:$0x9];
	[sflag:s23] =	ssyncadd.s32 $0xFFFFC180  }
0x23: {  	[tilespmem:s17], [sflag:$0x8] =	stream.linear.gather [hbm4b:s31+s5], $0x3E80, $0x38;
	[tilespmem:$0x1B580] =	vst v63  }
0x24: {  	v2 =	vld [tilespmem:s13+$0xFFFFFFC0]  }
0x25: {  	v3 =	vld [tilespmem:s13+$0xFFFFFFD0];
	_ =	sdelay $0x4  }
0x26: {  	s14 =	simm.s32 $0x0;
	v2 =	vpack.i.f32.bf16 v3, v2  }
0x27: {  	[tilespmem:s14+$0x194B0] =	vst v2  }
0x28: {  	v2 =	vld [tilespmem:s13+$0xFFFFFFE0]  }
0x29: {  	v3 =	vld [tilespmem:s13+$0xFFFFFFF0];
	_ =	sdelay $0x4  }
0x2a: {  	v2 =	vpack.i.f32.bf16 v3, v2  }
0x2b: {  	[tilespmem:s14+$0x194C0] =	vst v2  }
0x2c: {  	v2 =	vld [tilespmem:s13+$0x0]  }
0x2d: {  	v3 =	vld [tilespmem:s13+$0x10];
	_ =	sdelay $0x4  }
0x2e: {  	v2 =	vpack.i.f32.bf16 v3, v2  }
0x2f: {  	[tilespmem:s14+$0x194D0] =	vst v2  }
0x30: {  	v2 =	vld [tilespmem:s13+$0x20]  }
0x31: {  	s15 =	simm.s32 $0x100;
	v3 =	vld [tilespmem:s13+$0x30]  }
.LBB2_2:
0x32: {  	_ = 	snop  }
0x33: {  	p0 =	sne.s32 s15, $0x7C00  }
0x34: {  	s13 =	sadd.s32 $0x80, s13;
	s16 =	smov.u32 s15;
	s15 =	sadd.s32 $0x100, s15  }
0x35: {  	_ = 	snop  }
0x36: {  	v2 =	vpack.i.f32.bf16 v3, v2  }
0x37: {  	[tilespmem:s14+$0x194E0] =	vst v2  }
0x38: {  	v2 =	vld [tilespmem:s13+$0xFFFFFFC0]  }
0x39: {  	v3 =	vld [tilespmem:s13+$0xFFFFFFD0];
	_ =	sdelay $0x4  }
0x3a: {  	s14 =	sshra.s32 s16, $0x2;
	v2 =	vpack.i.f32.bf16 v3, v2  }
0x3b: {  	[tilespmem:s14+$0x194B0] =	vst v2  }
0x3c: {  	v2 =	vld [tilespmem:s13+$0xFFFFFFE0]  }
0x3d: {  	v3 =	vld [tilespmem:s13+$0xFFFFFFF0];
	_ =	sdelay $0x4  }
0x3e: {  	v2 =	vpack.i.f32.bf16 v3, v2  }
0x3f: {  	[tilespmem:s14+$0x194C0] =	vst v2  }
0x40: {  	v2 =	vld [tilespmem:s13+$0x0]  }
0x41: {  	v3 =	vld [tilespmem:s13+$0x10];
	_ =	sdelay $0x3  }
.Ltmp0:
0x42: {  	(pc) =	sbr.rel @p0 .LBB2_2-.Ltmp0, $4  }
0x43: {  	v2 =	vpack.i.f32.bf16 v3, v2  }
0x44: {  	[tilespmem:s14+$0x194D0] =	vst v2  }
0x45: {  	v2 =	vld [tilespmem:s13+$0x20]  }
0x46: {  	v3 =	vld [tilespmem:s13+$0x30]  }
0x47: {  	_ =	sdelay $0x3  }
0x48: {  	v2 =	vpack.i.f32.bf16 v3, v2  }
0x49: {  	s13 =	simm.s32 $0x0;
	s24 =	rddreg [dreg:$0xa];
	[tilespmem:s14+$0x194E0] =	vst v2  }
0x4a: {  	[hbm4b:s24+s13] =	stream.linear.scatter [tilespmem:s25], [sflag:$0x9], $0x1F40, $0x38;
	[tilespmem:$0x1B580] =	vst v63  }
0x4b: {  	_ =	swait.ge [sflag:s26], $0x1F40  }
0x4c: {  	[sflag:s26] =	ssyncset.done $0x0  }
0x4d: {  	[sflag:s26] =	ssyncadd.s32 $0xFFFFE0C0  }
0x4e: {  	_ =	swait.ge [sflag:s28], $0x3E80  }
0x4f: {  	[sflag:s28] =	ssyncset.done $0x0  }
0x50: {  	s31 =	rddreg [dreg:$0xb];
	[sflag:s28] =	ssyncadd.s32 $0xFFFFC180  }
0x51: {  	[tilespmem:s22], [sflag:$0x7] =	stream.linear.gather [hbm4b:s31+s13], $0x3E80, $0x38;
	[tilespmem:$0x1B580] =	vst v63  }
0x52: {  	s13 =	simm.s32 $0x15670  }
0x53: {  	v2 =	vld [tilespmem:s13+$0xFFFFFFC0]  }
0x54: {  	v3 =	vld [tilespmem:s13+$0xFFFFFFD0];
	_ =	sdelay $0x4  }
0x55: {  	s14 =	simm.s32 $0x0;
	v2 =	vpack.i.f32.bf16 v3, v2  }
0x56: {  	[tilespmem:s14+$0x194B0] =	vst v2  }
0x57: {  	v2 =	vld [tilespmem:s13+$0xFFFFFFE0]  }
0x58: {  	v3 =	vld [tilespmem:s13+$0xFFFFFFF0];
	_ =	sdelay $0x4  }
0x59: {  	v2 =	vpack.i.f32.bf16 v3, v2  }
0x5a: {  	[tilespmem:s14+$0x194C0] =	vst v2  }
0x5b: {  	v2 =	vld [tilespmem:s13+$0x0]  }
0x5c: {  	v3 =	vld [tilespmem:s13+$0x10];
	_ =	sdelay $0x4  }
0x5d: {  	v2 =	vpack.i.f32.bf16 v3, v2  }
0x5e: {  	[tilespmem:s14+$0x194D0] =	vst v2  }
0x5f: {  	v2 =	vld [tilespmem:s13+$0x20]  }
0x60: {  	s15 =	simm.s32 $0x100;
	v3 =	vld [tilespmem:s13+$0x30]  }
.LBB2_4:
0x61: {  	_ = 	snop  }
0x62: {  	p0 =	sne.s32 s15, $0x7C00  }
0x63: {  	s13 =	sadd.s32 $0x80, s13;
	s16 =	smov.u32 s15;
	s15 =	sadd.s32 $0x100, s15  }
0x64: {  	_ = 	snop  }
0x65: {  	v2 =	vpack.i.f32.bf16 v3, v2  }
0x66: {  	[tilespmem:s14+$0x194E0] =	vst v2  }
0x67: {  	v2 =	vld [tilespmem:s13+$0xFFFFFFC0]  }
0x68: {  	v3 =	vld [tilespmem:s13+$0xFFFFFFD0];
	_ =	sdelay $0x4  }
0x69: {  	s14 =	sshra.s32 s16, $0x2;
	v2 =	vpack.i.f32.bf16 v3, v2  }
0x6a: {  	[tilespmem:s14+$0x194B0] =	vst v2  }
0x6b: {  	v2 =	vld [tilespmem:s13+$0xFFFFFFE0]  }
0x6c: {  	v3 =	vld [tilespmem:s13+$0xFFFFFFF0];
	_ =	sdelay $0x4  }
0x6d: {  	v2 =	vpack.i.f32.bf16 v3, v2  }
0x6e: {  	[tilespmem:s14+$0x194C0] =	vst v2  }
0x6f: {  	v2 =	vld [tilespmem:s13+$0x0]  }
0x70: {  	v3 =	vld [tilespmem:s13+$0x10];
	_ =	sdelay $0x3  }
.Ltmp1:
0x71: {  	(pc) =	sbr.rel @p0 .LBB2_4-.Ltmp1, $4  }
0x72: {  	v2 =	vpack.i.f32.bf16 v3, v2  }
0x73: {  	[tilespmem:s14+$0x194D0] =	vst v2  }
0x74: {  	v2 =	vld [tilespmem:s13+$0x20]  }
0x75: {  	v3 =	vld [tilespmem:s13+$0x30]  }
0x76: {  	_ =	sdelay $0x3  }
0x77: {  	v2 =	vpack.i.f32.bf16 v3, v2  }
0x78: {  	s13 =	simm.s32 $0x0;
	s24 =	rddreg [dreg:$0xc];
	[tilespmem:s14+$0x194E0] =	vst v2  }
0x79: {  	[hbm4b:s24+s13] =	stream.linear.scatter [tilespmem:s25], [sflag:$0x9], $0x1F40, $0x38;
	[tilespmem:$0x1B580] =	vst v63  }
0x7a: {  	_ =	swait.ge [sflag:s26], $0x1F40  }
0x7b: {  	[sflag:s26] =	ssyncset.done $0x0  }
0x7c: {  	[sflag:s26] =	ssyncadd.s32 $0xFFFFE0C0  }
0x7d: {  	_ =	swait.ge [sflag:s23], $0x3E80  }
0x7e: {  	[sflag:s23] =	ssyncset.done $0x0  }
0x7f: {  	s31 =	rddreg [dreg:$0xd];
	[sflag:s23] =	ssyncadd.s32 $0xFFFFC180  }
0x80: {  	[tilespmem:s17], [sflag:$0x8] =	stream.linear.gather [hbm4b:s31+s13], $0x3E80, $0x38;
	[tilespmem:$0x1B580] =	vst v63  }
0x81: {  	s13 =	simm.s32 $0x117F0  }
0x82: {  	v2 =	vld [tilespmem:s13+$0xFFFFFFC0]  }
0x83: {  	v3 =	vld [tilespmem:s13+$0xFFFFFFD0];
	_ =	sdelay $0x4  }
0x84: {  	s14 =	simm.s32 $0x0;
	v2 =	vpack.i.f32.bf16 v3, v2  }
0x85: {  	[tilespmem:s14+$0x194B0] =	vst v2  }
0x86: {  	v2 =	vld [tilespmem:s13+$0xFFFFFFE0]  }
0x87: {  	v3 =	vld [tilespmem:s13+$0xFFFFFFF0];
	_ =	sdelay $0x4  }
0x88: {  	v2 =	vpack.i.f32.bf16 v3, v2  }
0x89: {  	[tilespmem:s14+$0x194C0] =	vst v2  }
0x8a: {  	v2 =	vld [tilespmem:s13+$0x0]  }
0x8b: {  	v3 =	vld [tilespmem:s13+$0x10];
	_ =	sdelay $0x4  }
0x8c: {  	v2 =	vpack.i.f32.bf16 v3, v2  }
0x8d: {  	[tilespmem:s14+$0x194D0] =	vst v2  }
0x8e: {  	v2 =	vld [tilespmem:s13+$0x20]  }
0x8f: {  	s15 =	simm.s32 $0x100;
	v3 =	vld [tilespmem:s13+$0x30]  }
.LBB2_6:
0x90: {  	_ = 	snop  }
0x91: {  	p0 =	sne.s32 s15, $0x7C00  }
0x92: {  	s13 =	sadd.s32 $0x80, s13;
	s16 =	smov.u32 s15;
	s15 =	sadd.s32 $0x100, s15  }
0x93: {  	_ = 	snop  }
0x94: {  	v2 =	vpack.i.f32.bf16 v3, v2  }
0x95: {  	[tilespmem:s14+$0x194E0] =	vst v2  }
0x96: {  	v2 =	vld [tilespmem:s13+$0xFFFFFFC0]  }
0x97: {  	v3 =	vld [tilespmem:s13+$0xFFFFFFD0];
	_ =	sdelay $0x4  }
0x98: {  	s14 =	sshra.s32 s16, $0x2;
	v2 =	vpack.i.f32.bf16 v3, v2  }
0x99: {  	[tilespmem:s14+$0x194B0] =	vst v2  }
0x9a: {  	v2 =	vld [tilespmem:s13+$0xFFFFFFE0]  }
0x9b: {  	v3 =	vld [tilespmem:s13+$0xFFFFFFF0];
	_ =	sdelay $0x4  }
0x9c: {  	v2 =	vpack.i.f32.bf16 v3, v2  }
0x9d: {  	[tilespmem:s14+$0x194C0] =	vst v2  }
0x9e: {  	v2 =	vld [tilespmem:s13+$0x0]  }
0x9f: {  	v3 =	vld [tilespmem:s13+$0x10];
	_ =	sdelay $0x3  }
.Ltmp2:
0xa0: {  	(pc) =	sbr.rel @p0 .LBB2_6-.Ltmp2, $4  }
0xa1: {  	v2 =	vpack.i.f32.bf16 v3, v2  }
0xa2: {  	[tilespmem:s14+$0x194D0] =	vst v2  }
0xa3: {  	v2 =	vld [tilespmem:s13+$0x20]  }
0xa4: {  	v3 =	vld [tilespmem:s13+$0x30]  }
0xa5: {  	_ =	sdelay $0x3  }
0xa6: {  	v2 =	vpack.i.f32.bf16 v3, v2  }
0xa7: {  	s13 =	simm.s32 $0x0;
	s24 =	rddreg [dreg:$0xe];
	[tilespmem:s14+$0x194E0] =	vst v2  }
0xa8: {  	[hbm4b:s24+s13] =	stream.linear.scatter [tilespmem:s25], [sflag:$0x9], $0x1F40, $0x38;
	[tilespmem:$0x1B580] =	vst v63  }
0xa9: {  	_ =	swait.ge [sflag:s26], $0x1F40  }
0xaa: {  	[sflag:s26] =	ssyncset.done $0x0  }
0xab: {  	[sflag:s26] =	ssyncadd.s32 $0xFFFFE0C0  }
0xac: {  	_ =	swait.ge [sflag:s28], $0x3E80  }
0xad: {  	[sflag:s28] =	ssyncset.done $0x0  }
0xae: {  	s31 =	rddreg [dreg:$0xf];
	[sflag:s28] =	ssyncadd.s32 $0xFFFFC180  }
0xaf: {  	[tilespmem:s22], [sflag:$0x7] =	stream.linear.gather [hbm4b:s31+s13], $0x3E80, $0x38;
	[tilespmem:$0x1B580] =	vst v63  }
0xb0: {  	s13 =	simm.s32 $0x15670  }
0xb1: {  	v2 =	vld [tilespmem:s13+$0xFFFFFFC0]  }
0xb2: {  	v3 =	vld [tilespmem:s13+$0xFFFFFFD0];
	_ =	sdelay $0x4  }
0xb3: {  	s14 =	simm.s32 $0x0;
	v2 =	vpack.i.f32.bf16 v3, v2  }
0xb4: {  	[tilespmem:s14+$0x194B0] =	vst v2  }
0xb5: {  	v2 =	vld [tilespmem:s13+$0xFFFFFFE0]  }
0xb6: {  	v3 =	vld [tilespmem:s13+$0xFFFFFFF0];
	_ =	sdelay $0x4  }
0xb7: {  	v2 =	vpack.i.f32.bf16 v3, v2  }
0xb8: {  	[tilespmem:s14+$0x194C0] =	vst v2  }
0xb9: {  	v2 =	vld [tilespmem:s13+$0x0]  }
0xba: {  	v3 =	vld [tilespmem:s13+$0x10];
	_ =	sdelay $0x4  }
0xbb: {  	v2 =	vpack.i.f32.bf16 v3, v2  }
0xbc: {  	[tilespmem:s14+$0x194D0] =	vst v2  }
0xbd: {  	v2 =	vld [tilespmem:s13+$0x20]  }
0xbe: {  	s15 =	simm.s32 $0x100;
	v3 =	vld [tilespmem:s13+$0x30]  }
.LBB2_8:
0xbf: {  	_ = 	snop  }
0xc0: {  	p0 =	sne.s32 s15, $0x7C00  }
0xc1: {  	s13 =	sadd.s32 $0x80, s13;
	s16 =	smov.u32 s15;
	s15 =	sadd.s32 $0x100, s15  }
0xc2: {  	_ = 	snop  }
0xc3: {  	v2 =	vpack.i.f32.bf16 v3, v2  }
0xc4: {  	[tilespmem:s14+$0x194E0] =	vst v2  }
0xc5: {  	v2 =	vld [tilespmem:s13+$0xFFFFFFC0]  }
0xc6: {  	v3 =	vld [tilespmem:s13+$0xFFFFFFD0];
	_ =	sdelay $0x4  }
0xc7: {  	s14 =	sshra.s32 s16, $0x2;
	v2 =	vpack.i.f32.bf16 v3, v2  }
0xc8: {  	[tilespmem:s14+$0x194B0] =	vst v2  }
0xc9: {  	v2 =	vld [tilespmem:s13+$0xFFFFFFE0]  }
0xca: {  	v3 =	vld [tilespmem:s13+$0xFFFFFFF0];
	_ =	sdelay $0x4  }
0xcb: {  	v2 =	vpack.i.f32.bf16 v3, v2  }
0xcc: {  	[tilespmem:s14+$0x194C0] =	vst v2  }
0xcd: {  	v2 =	vld [tilespmem:s13+$0x0]  }
0xce: {  	v3 =	vld [tilespmem:s13+$0x10];
	_ =	sdelay $0x3  }
.Ltmp3:
0xcf: {  	(pc) =	sbr.rel @p0 .LBB2_8-.Ltmp3, $4  }
0xd0: {  	v2 =	vpack.i.f32.bf16 v3, v2  }
0xd1: {  	[tilespmem:s14+$0x194D0] =	vst v2  }
0xd2: {  	v2 =	vld [tilespmem:s13+$0x20]  }
0xd3: {  	v3 =	vld [tilespmem:s13+$0x30]  }
0xd4: {  	_ =	sdelay $0x3  }
0xd5: {  	v2 =	vpack.i.f32.bf16 v3, v2  }
0xd6: {  	s13 =	simm.s32 $0x0;
	s31 =	rddreg [dreg:$0x10];
	[tilespmem:s14+$0x194E0] =	vst v2  }
0xd7: {  	[hbm4b:s31+s13] =	stream.linear.scatter [tilespmem:s25], [sflag:$0x9], $0x1F40, $0x38;
	[tilespmem:$0x1B580] =	vst v63  }
0xd8: {  	_ =	swait.ge [sflag:s26], $0x1F40  }
0xd9: {  	[sflag:s26] =	ssyncset.done $0x0  }
0xda: {  	[sflag:s26] =	ssyncadd.s32 $0xFFFFE0C0  }
0xdb: {  	_ =	swait.ge [sflag:s23], $0x3E80  }
0xdc: {  	[sflag:s23] =	ssyncset.done $0x0  }
0xdd: {  	s13 =	simm.s32 $0x117F0;
	[sflag:s23] =	ssyncadd.s32 $0xFFFFC180  }
0xde: {  	v2 =	vld [tilespmem:s13+$0xFFFFFFC0]  }
0xdf: {  	v3 =	vld [tilespmem:s13+$0xFFFFFFD0];
	_ =	sdelay $0x4  }
0xe0: {  	s14 =	simm.s32 $0x0;
	v2 =	vpack.i.f32.bf16 v3, v2  }
0xe1: {  	[tilespmem:s14+$0x194B0] =	vst v2  }
0xe2: {  	v2 =	vld [tilespmem:s13+$0xFFFFFFE0]  }
0xe3: {  	v3 =	vld [tilespmem:s13+$0xFFFFFFF0];
	_ =	sdelay $0x4  }
0xe4: {  	v2 =	vpack.i.f32.bf16 v3, v2  }
0xe5: {  	[tilespmem:s14+$0x194C0] =	vst v2  }
0xe6: {  	v2 =	vld [tilespmem:s13+$0x0]  }
0xe7: {  	v3 =	vld [tilespmem:s13+$0x10];
	_ =	sdelay $0x4  }
0xe8: {  	v2 =	vpack.i.f32.bf16 v3, v2  }
0xe9: {  	[tilespmem:s14+$0x194D0] =	vst v2  }
0xea: {  	v2 =	vld [tilespmem:s13+$0x20]  }
0xeb: {  	s15 =	simm.s32 $0x100;
	v3 =	vld [tilespmem:s13+$0x30]  }
.LBB2_10:
0xec: {  	_ = 	snop  }
0xed: {  	p0 =	sne.s32 s15, $0x7C00  }
0xee: {  	s13 =	sadd.s32 $0x80, s13;
	s16 =	smov.u32 s15;
	s15 =	sadd.s32 $0x100, s15  }
0xef: {  	_ = 	snop  }
0xf0: {  	v2 =	vpack.i.f32.bf16 v3, v2  }
0xf1: {  	[tilespmem:s14+$0x194E0] =	vst v2  }
0xf2: {  	v2 =	vld [tilespmem:s13+$0xFFFFFFC0]  }
0xf3: {  	v3 =	vld [tilespmem:s13+$0xFFFFFFD0];
	_ =	sdelay $0x4  }
0xf4: {  	s14 =	sshra.s32 s16, $0x2;
	v2 =	vpack.i.f32.bf16 v3, v2  }
0xf5: {  	[tilespmem:s14+$0x194B0] =	vst v2  }
0xf6: {  	v2 =	vld [tilespmem:s13+$0xFFFFFFE0]  }
0xf7: {  	v3 =	vld [tilespmem:s13+$0xFFFFFFF0];
	_ =	sdelay $0x4  }
0xf8: {  	v2 =	vpack.i.f32.bf16 v3, v2  }
0xf9: {  	[tilespmem:s14+$0x194C0] =	vst v2  }
0xfa: {  	v2 =	vld [tilespmem:s13+$0x0]  }
0xfb: {  	v3 =	vld [tilespmem:s13+$0x10];
	_ =	sdelay $0x3  }
.Ltmp4:
0xfc: {  	(pc) =	sbr.rel @p0 .LBB2_10-.Ltmp4, $4  }
0xfd: {  	v2 =	vpack.i.f32.bf16 v3, v2  }
0xfe: {  	[tilespmem:s14+$0x194D0] =	vst v2  }
0xff: {  	v2 =	vld [tilespmem:s13+$0x20]  }
0x100: {  	v3 =	vld [tilespmem:s13+$0x30]  }
0x101: {  	_ =	sdelay $0x3  }
0x102: {  	v2 =	vpack.i.f32.bf16 v3, v2  }
0x103: {  	s24 =	simm.s32 $0x0;
	s13 =	rddreg [dreg:$0x11];
	[tilespmem:s14+$0x194E0] =	vst v2  }
0x104: {  	[hbm4b:s13+s24] =	stream.linear.scatter [tilespmem:s25], [sflag:$0x9], $0x1F40, $0x38;
	[tilespmem:$0x1B580] =	vst v63  }
0x105: {  	_ =	swait.ge [sflag:s26], $0x1F40  }
0x106: {  	[sflag:s26] =	ssyncset.done $0x0  }
0x107: {  	[sflag:s26] =	ssyncadd.s32 $0xFFFFE0C0  }
0x108: {  	s19 =	simm.s32 $0x1B3F0;
	s18 =	rddreg [dreg:$0x3]  }
0x109: {  	[tilespmem:s19], [sflag:$0x9] =	stream.linear.gather [hbm4b:s18+s24], $0x80, $0x38;
	[tilespmem:$0x1B580] =	vst v63  }
0x10a: {  	_ =	swait.ge [sflag:s26], $0x80  }
0x10b: {  	[sflag:s26] =	ssyncset.done $0x0  }
0x10c: {  	[sflag:s26] =	ssyncadd.s32 $0xFFFFFF80  }
0x10d: {  	s31 =	simm.s32 $0x1B470;
	s21 =	rddreg [dreg:$0x4]  }
0x10e: {  	[tilespmem:s31], [sflag:$0x9] =	stream.linear.gather [hbm4b:s21+s24], $0x10, $0x38;
	[tilespmem:$0x1B580] =	vst v63  }
0x10f: {  	_ =	swait.ge [sflag:s26], $0x10  }
0x110: {  	[sflag:s26] =	ssyncset.done $0x0  }
0x111: {  	[sflag:s26] =	ssyncadd.s32 $0xFFFFFFF0  }
0x112: {  	v3 =	vld [tilespmem:$0x1B3F0]  }
0x113: {  	v4 =	vld [tilespmem:$0x1B400]  }
0x114: {  	v5 =	vld [tilespmem:$0x1B410]  }
0x115: {  	v6 =	vld [tilespmem:$0x1B420]  }
0x116: {  	v7 =	vld [tilespmem:$0x1B430]  }
0x117: {  	v8 =	vld [tilespmem:$0x1B440]  }
0x118: {  	v9 =	vld [tilespmem:$0x1B450]  }
0x119: {  	s14 =	rddreg [dreg:$0x12];
	v10 =	vld [tilespmem:$0x1B460]  }
0x11a: {  	v2 =	vld [tilespmem:$0x1B470];
	[tilespmem:s24], [sflag:$0x9] =	stream.linear.gather [hbm4b:s14+s24], $0x2710, $0x38  }
0x11b: {  	_ =	swait.ge [sflag:s26], $0x2710  }
0x11c: {  	[sflag:s26] =	ssyncset.done $0x0  }
0x11d: {  	s16 =	simm.s32 $0x2710;
	s15 =	rddreg [dreg:$0x13];
	[sflag:s26] =	ssyncadd.s32 $0xFFFFD8F0  }
0x11e: {  	[tilespmem:s16], [sflag:$0x9] =	stream.linear.gather [hbm4b:s15+s24], $0x2710, $0x38;
	[tilespmem:$0x1B580] =	vst v63  }
0x11f: {  	_ =	swait.ge [sflag:s26], $0x2710  }
0x120: {  	[sflag:s26] =	ssyncset.done $0x0  }
0x121: {  	[sflag:s26] =	ssyncadd.s32 $0xFFFFD8F0  }
0x122: {  	s17 =	simm.s32 $0x4E20;
	[bflag:$0x0] =	sbarrier.arrive $0xFFFF  }
0x123: {  	[tilespmem:s17], [sflag:$0x1] =	stream.indirect.gather [hbm4b:s7+s3], $0x40, s24, s3, $0xb8;
	[tilespmem:$0x1B580] =	vst v63  }
0x124: {  	s18 =	simm.s32 $0x8020  }
0x125: {  	[tilespmem:s18], [sflag:$0x2] =	stream.indirect.gather [hbm4b:s7+s3], $0x40, s16, s3, $0xb8;
	[tilespmem:$0x1B580] =	vst v63  }
0x126: {  	s19 =	simm.s32 $0xB220  }
0x127: {  	[tilespmem:s19], [sflag:$0x3] =	stream.indirect.gather [hbm4b:s7+s3], $0x40, s3, s3, $0xb8;
	[tilespmem:$0x1B580] =	vst v63  }
0x128: {  	s21 =	simm.s32 $0x27D8;
	s31 =	simm.s32 $0xE420;
	v3 =	vpack.i.f32.bf16 v4, v3  }
0x129: {  	v4 =	vpack.i.f32.bf16 v6, v5;
	v5 =	vpack.i.f32.bf16 v8, v7;
	v6 =	vpack.i.f32.bf16 v10, v9;
	[tilespmem:s31], [sflag:$0x4] =	stream.indirect.gather [hbm4b:s7+s3], $0x40, s21, s3, $0xb8;
	[tilespmem:$0x1B580] =	vst v63  }
.LBB2_12:
0x12a: {  	_ =	swait.ge [sflag:s0], $0x3200  }
0x12b: {  	[sflag:s0] =	ssyncset.done $0x0  }
0x12c: {  	[sflag:s0] =	ssyncadd.s32 $0xFFFFCE00  }
0x12d: {  	_ =	swait.ge [sflag:s1], $0x3200  }
0x12e: {  	p1 =	seq.s32 s24, $0x0;
	[sflag:s1] =	ssyncset.done $0x0  }
0x12f: {  	s13 =	simm.s32 @!p1 $0x5;
	[sflag:s1] =	ssyncadd.s32 $0xFFFFCE00  }
0x130: {  	_ =	swait.ge @!p1 [sflag:s13], $0xC8  }
0x131: {  	s14 =	simm.s32 $0x8040;
	[sflag:s13] =	ssyncset.done @!p1 $0x0  }
0x132: {  	s15 =	simm.s32 $0x0;
	[sflag:s13] =	ssyncadd.s32 @!p1 $0xFFFFFF38;
	s13 =	simm.s32 $0x4E40  }
.LBB2_13:
0x133: {  	v7 =	vld [tilespmem:s14+$0xFFFFFFF0]  }
0x134: {  	v8 =	vld [tilespmem:s13+$0xFFFFFFF0]  }
0x135: {  	v9 =	vld [tilespmem:s13+$0xFFFFFFE0]  }
0x136: {  	v10 =	vld [tilespmem:s14+$0xFFFFFFE0]  }
0x137: {  	v11 =	vld [tilespmem:s13+$0x0]  }
0x138: {  	v12 =	vld [tilespmem:s13+$0x10]  }
0x139: {  	v13 =	vld [tilespmem:s14+$0x0];
	v8 =	vmul.bf16 v8, v4  }
0x13a: {  	v14 =	vld [tilespmem:s14+$0x10];
	v9 =	vmul.bf16 v9, v3  }
0x13b: {  	v7 =	vmul.bf16 v7, v8  }
0x13c: {  	v8 =	vmul.bf16 v10, v9;
	v9 =	vmul.bf16 v11, v5  }
0x13d: {  	v11 =	vmul.bf16 v12, v6;
	v10 =	vunpack.i.u.bf16.f32 v7;
	v7 =	vunpack.i.l.bf16.f32 v7  }
0x13e: {  	s31 =	simm.s32 $0x0;
	v63 =	vunpack.i.u.bf16.f32 v8;
	v15 =	vunpack.i.l.bf16.f32 v8;
	v8 =	vmul.bf16 v13, v9  }
0x13f: {  	s16 =	simm.s32 $0x1;
	s17 =	smov.u32 s13;
	s18 =	smov.u32 s14;
	v9 =	vadd.f32 v7, v15;
	v10 =	vadd.f32 v10, v63;
	v7 =	vmul.bf16 v14, v11  }
.LBB2_14:
0x140: {  	p0 =	sne.s32 s16, $0xF;
	v11 =	vunpack.i.u.bf16.f32 v8;
	v8 =	vunpack.i.l.bf16.f32 v8;
	s17 =	sadd.s32 $0x40, s17;
	s18 =	sadd.s32 $0x40, s18  }
0x141: {  	s19 =	smov.u32 s16;
	s16 =	sadd.s32 $0x1, s16;
	v8 =	vadd.f32 v8, v9;
	v9 =	vadd.f32 v11, v10  }
0x142: {  	v10 =	vunpack.i.u.bf16.f32 v7;
	v7 =	vunpack.i.l.bf16.f32 v7;
	v11 =	vor.u32 s31, v0;
	s31 =	smov.u32 s19  }
0x143: {  	v7 =	vadd.f32 v7, v8;
	v8 =	vadd.f32 v10, v9;
	_ =	sdelay $0x1  }
0x144: {  	v7 =	vadd.f32 v7, v8;
	_ =	sdelay $0x1  }
0x145: {  	[tilespmem:v11+s2+$0x0] =	vst.idx.msk $0xffff, v7  }
0x146: {  	v7 =	vld [tilespmem:s18+$0xFFFFFFF0]  }
0x147: {  	v8 =	vld [tilespmem:s17+$0xFFFFFFF0]  }
0x148: {  	v9 =	vld [tilespmem:s17+$0xFFFFFFE0]  }
0x149: {  	v10 =	vld [tilespmem:s18+$0xFFFFFFE0]  }
0x14a: {  	v11 =	vld [tilespmem:s17+$0x0]  }
0x14b: {  	v12 =	vld [tilespmem:s17+$0x10]  }
0x14c: {  	v8 =	vmul.bf16 v8, v4;
	v13 =	vld [tilespmem:s18+$0x0]  }
0x14d: {  	v9 =	vmul.bf16 v9, v3;
	v14 =	vld [tilespmem:s18+$0x10]  }
.Ltmp5:
0x14e: {  	v7 =	vmul.bf16 v7, v8;
	(pc) =	sbr.rel @p0 .LBB2_14-.Ltmp5, $4  }
0x14f: {  	v8 =	vmul.bf16 v10, v9;
	v9 =	vmul.bf16 v11, v5  }
0x150: {  	v10 =	vunpack.i.u.bf16.f32 v7;
	v7 =	vunpack.i.l.bf16.f32 v7;
	v11 =	vmul.bf16 v12, v6  }
0x151: {  	v12 =	vunpack.i.u.bf16.f32 v8;
	v15 =	vunpack.i.l.bf16.f32 v8;
	v8 =	vmul.bf16 v13, v9  }
0x152: {  	v9 =	vadd.f32 v7, v15;
	v10 =	vadd.f32 v10, v12;
	v7 =	vmul.bf16 v14, v11  }
0x153: {  	v11 =	vunpack.i.u.bf16.f32 v8;
	v8 =	vunpack.i.l.bf16.f32 v8  }
0x154: {  	v8 =	vadd.f32 v8, v9;
	v51 =	vadd.f32 v11, v10  }
0x155: {  	v53 =	vor.u32 s31, v0;
	v52 =	vunpack.i.u.bf16.f32 v7;
	v7 =	vunpack.i.l.bf16.f32 v7  }
0x156: {  	v7 =	vadd.f32 v7, v8;
	v8 =	vadd.f32 v52, v51;
	_ =	sdelay $0x1  }
0x157: {  	v7 =	vadd.f32 v7, v8;
	_ =	sdelay $0x1  }
0x158: {  	[tilespmem:v53+s2+$0x0] =	vst.idx.msk $0xffff, v7  }
0x159: {  	v7 =	vld [tilespmem:$0x1B480]  }
0x15a: {  	v8 =	vld [tilespmem:$0x1B490]  }
0x15b: {  	v54 =	vld [tilespmem:$0x1B4A0]  }
0x15c: {  	v55 =	vld [tilespmem:$0x1B4B0]  }
0x15d: {  	v11 =	vld [tilespmem:$0x1B4C0]  }
0x15e: {  	v12 =	vld [tilespmem:$0x1B4D0]  }
0x15f: {  	v13 =	vld [tilespmem:$0x1B4E0]  }
0x160: {  	v14 =	vld [tilespmem:$0x1B4F0]  }
0x161: {  	v15 =	vld [tilespmem:$0x1B500]  }
0x162: {  	v16 =	vld [tilespmem:$0x1B510]  }
0x163: {  	v17 =	vld [tilespmem:$0x1B520]  }
0x164: {  	v18 =	vld [tilespmem:$0x1B530]  }
0x165: {  	v19 =	vld [tilespmem:$0x1B540]  }
0x166: {  	v20 =	vld [tilespmem:$0x1B550]  }
0x167: {  	v21 =	vld [tilespmem:$0x1B560]  }
0x168: {  	v22 =	vld [tilespmem:$0x1B570];
	_ =	sdelay $0x1  }
0x169: {  	v7 =	vadd.f32 v8, v7;
	v8 =	vadd.f32 v55, v54  }
0x16a: {  	v56 =	vadd.f32 v12, v11;
	v57 =	vadd.f32 v14, v13  }
0x16b: {  	v58 =	vadd.f32 v16, v15;
	v59 =	vadd.f32 v18, v17  }
0x16c: {  	v60 =	vadd.f32 v20, v19;
	v61 =	vadd.f32 v22, v21  }
0x16d: {  	v7 =	vadd.f32 v8, v7;
	v8 =	vadd.f32 v57, v56  }
0x16e: {  	v62 =	vadd.f32 v59, v58;
	v63 =	vadd.f32 v61, v60;
	_ =	sdelay $0x1  }
0x16f: {  	s16 =	sshll.u32 s15, $0x4;
	s15 =	sadd.s32 $0x1, s15;
	v7 =	vadd.f32 v8, v7;
	v8 =	vadd.f32 v63, v62  }
0x170: {  	p0 =	sne.s32 s15, $0xC  }
.Ltmp6:
0x171: {  	v7 =	vadd.f32 v8, v7;
	(pc) =	sbr.rel @p0 .LBB2_13-.Ltmp6, $4  }
0x172: {  	_ = 	snop  }
0x173: {  	v7 =	vadd.f32 v7, v2  }
0x174: {  	s16 =	sand.u32 $0x3FFFFFF0, s16  }
0x175: {  	s13 =	sadd.s32 $0x400, s13;
	s14 =	sadd.s32 $0x400, s14;
	[tilespmem:s16+$0x11620] =	vst v7  }
0x176: {  	s13 =	simm.s32 $0xB050  }
0x177: {  	s14 =	simm.s32 $0x7E50;
	v7 =	vld [tilespmem:s13+$0xFFFFFFE0]  }
0x178: {  	v8 =	vld [tilespmem:s14+$0xFFFFFFE0]  }
0x179: {  	v9 =	vld [tilespmem:s14+$0xFFFFFFD0]  }
0x17a: {  	v10 =	vld [tilespmem:s13+$0xFFFFFFD0]  }
0x17b: {  	v11 =	vld [tilespmem:s14+$0xFFFFFFF0]  }
0x17c: {  	v12 =	vld [tilespmem:s14+$0x0]  }
0x17d: {  	v13 =	vld [tilespmem:s13+$0xFFFFFFF0];
	v8 =	vmul.bf16 v8, v4  }
0x17e: {  	v14 =	vld [tilespmem:s13+$0x0];
	v9 =	vmul.bf16 v9, v3  }
0x17f: {  	v7 =	vmul.bf16 v7, v8  }
0x180: {  	v8 =	vmul.bf16 v10, v9;
	v9 =	vmul.bf16 v11, v5  }
0x181: {  	v11 =	vmul.bf16 v12, v6;
	v10 =	vunpack.i.u.bf16.f32 v7;
	v7 =	vunpack.i.l.bf16.f32 v7  }
0x182: {  	v63 =	vunpack.i.u.bf16.f32 v8;
	v15 =	vunpack.i.l.bf16.f32 v8;
	v8 =	vmul.bf16 v13, v9  }
0x183: {  	s15 =	simm.s32 $0x0;
	s16 =	simm.s32 $0x1;
	v9 =	vadd.f32 v7, v15;
	v10 =	vadd.f32 v10, v63;
	v7 =	vmul.bf16 v14, v11  }
.LBB2_17:
0x184: {  	p0 =	sne.s32 s16, $0x7;
	v11 =	vunpack.i.u.bf16.f32 v8;
	v8 =	vunpack.i.l.bf16.f32 v8;
	s14 =	sadd.s32 $0x40, s14;
	s13 =	sadd.s32 $0x40, s13  }
0x185: {  	s17 =	smov.u32 s16;
	s16 =	sadd.s32 $0x1, s16;
	v8 =	vadd.f32 v8, v9;
	v9 =	vadd.f32 v11, v10  }
0x186: {  	v10 =	vunpack.i.u.bf16.f32 v7;
	v7 =	vunpack.i.l.bf16.f32 v7;
	v11 =	vor.u32 s15, v0;
	s15 =	smov.u32 s17  }
0x187: {  	v7 =	vadd.f32 v7, v8;
	v8 =	vadd.f32 v10, v9;
	_ =	sdelay $0x1  }
0x188: {  	v7 =	vadd.f32 v7, v8;
	_ =	sdelay $0x1  }
0x189: {  	[tilespmem:v11+s2+$0x0] =	vst.idx.msk $0xffff, v7  }
0x18a: {  	v7 =	vld [tilespmem:s13+$0xFFFFFFE0]  }
0x18b: {  	v8 =	vld [tilespmem:s14+$0xFFFFFFE0]  }
0x18c: {  	v9 =	vld [tilespmem:s14+$0xFFFFFFD0]  }
0x18d: {  	v10 =	vld [tilespmem:s13+$0xFFFFFFD0]  }
0x18e: {  	v11 =	vld [tilespmem:s14+$0xFFFFFFF0]  }
0x18f: {  	v12 =	vld [tilespmem:s14+$0x0]  }
0x190: {  	v8 =	vmul.bf16 v8, v4;
	v13 =	vld [tilespmem:s13+$0xFFFFFFF0]  }
0x191: {  	v9 =	vmul.bf16 v9, v3;
	v14 =	vld [tilespmem:s13+$0x0]  }
.Ltmp7:
0x192: {  	v7 =	vmul.bf16 v7, v8;
	(pc) =	sbr.rel @p0 .LBB2_17-.Ltmp7, $4  }
0x193: {  	v8 =	vmul.bf16 v10, v9;
	v9 =	vmul.bf16 v11, v5  }
0x194: {  	v10 =	vunpack.i.u.bf16.f32 v7;
	v7 =	vunpack.i.l.bf16.f32 v7;
	v11 =	vmul.bf16 v12, v6  }
0x195: {  	v12 =	vunpack.i.u.bf16.f32 v8;
	v15 =	vunpack.i.l.bf16.f32 v8;
	v8 =	vmul.bf16 v13, v9  }
0x196: {  	v9 =	vadd.f32 v7, v15;
	v10 =	vadd.f32 v10, v12;
	v7 =	vmul.bf16 v14, v11  }
0x197: {  	v11 =	vunpack.i.u.bf16.f32 v8;
	v8 =	vunpack.i.l.bf16.f32 v8  }
0x198: {  	v8 =	vadd.f32 v8, v9;
	v51 =	vadd.f32 v11, v10  }
0x199: {  	v53 =	vor.u32 s15, v0;
	v52 =	vunpack.i.u.bf16.f32 v7;
	v7 =	vunpack.i.l.bf16.f32 v7  }
0x19a: {  	v7 =	vadd.f32 v7, v8;
	v8 =	vadd.f32 v52, v51;
	_ =	sdelay $0x1  }
0x19b: {  	v7 =	vadd.f32 v7, v8;
	_ =	sdelay $0x1  }
0x19c: {  	[tilespmem:v53+s2+$0x0] =	vst.idx.msk $0xffff, v7  }
0x19d: {  	v7 =	vld [tilespmem:$0x1B480]  }
0x19e: {  	v8 =	vld [tilespmem:$0x1B490]  }
0x19f: {  	v54 =	vld [tilespmem:$0x1B4A0]  }
0x1a0: {  	v55 =	vld [tilespmem:$0x1B4B0]  }
0x1a1: {  	v11 =	vld [tilespmem:$0x1B4C0]  }
0x1a2: {  	v12 =	vld [tilespmem:$0x1B4D0]  }
0x1a3: {  	v13 =	vld [tilespmem:$0x1B4E0]  }
0x1a4: {  	v14 =	vld [tilespmem:$0x1B4F0]  }
0x1a5: {  	v15 =	vld [tilespmem:$0x1B500]  }
0x1a6: {  	v16 =	vld [tilespmem:$0x1B510]  }
0x1a7: {  	v17 =	vld [tilespmem:$0x1B520]  }
0x1a8: {  	v18 =	vld [tilespmem:$0x1B530]  }
0x1a9: {  	v19 =	vld [tilespmem:$0x1B540]  }
0x1aa: {  	v20 =	vld [tilespmem:$0x1B550]  }
0x1ab: {  	v21 =	vld [tilespmem:$0x1B560]  }
0x1ac: {  	v22 =	vld [tilespmem:$0x1B570];
	_ =	sdelay $0x1  }
0x1ad: {  	v7 =	vadd.f32 v8, v7;
	v8 =	vadd.f32 v55, v54  }
0x1ae: {  	v56 =	vadd.f32 v12, v11;
	v57 =	vadd.f32 v14, v13  }
0x1af: {  	v58 =	vadd.f32 v16, v15;
	v59 =	vadd.f32 v18, v17  }
0x1b0: {  	v60 =	vadd.f32 v20, v19;
	v61 =	vadd.f32 v22, v21  }
0x1b1: {  	v7 =	vadd.f32 v8, v7;
	v8 =	vadd.f32 v57, v56  }
0x1b2: {  	v62 =	vadd.f32 v59, v58;
	v63 =	vadd.f32 v61, v60;
	_ =	sdelay $0x1  }
0x1b3: {  	v7 =	vadd.f32 v8, v7;
	v8 =	vadd.f32 v63, v62;
	_ =	sdelay $0x1  }
0x1b4: {  	v7 =	vadd.f32 v8, v7  }
0x1b5: {  	p0 =	seq.s32 s24, $0x18  }
0x1b6: {  	s13 =	smul.u32 @!p0 $0x190, s24;
	v7 =	vadd.f32 v7, v2;
	_ =	sdelay $0x1  }
0x1b7: {  	s15 =	simm.s32 @!p0 $0xC8;
	s16 =	simm.s32 @!p0 $0x4E20;
	s14 =	sadd.s32 @!p0 $0x190, s13;
	[tilespmem:v1+s29+$0x0] =	vst.idx.msk $0xff, v7  }
0x1b8: {  	[tilespmem:s16], [sflag:$0x1] =	stream.indirect.gather @!p0 [hbm4b:s7+s15], $0x40, s14, s15, $0xb8;
	[tilespmem:$0x1B580] =	vst v63  }
0x1b9: {  	s14 =	sadd.s32 @!p0 $0x28A0, s13;
	s13 =	simm.s32 @p0 $0x2580  }
0x1ba: {  	s16 =	simm.s32 @!p0 $0x8020;
	s31 =	sadd.s32 s6, s13  }
0x1bb: {  	[tilespmem:s16], [sflag:$0x2] =	stream.indirect.gather @!p0 [hbm4b:s7+s15], $0x40, s14, s15, $0xb8;
	[tilespmem:$0x1B580] =	vst v63  }
0x1bc: {  	s14 =	sshrl.u32 s31, $0x3  }
0x1bd: {  	s14 =	sadd.s32 s4, s14  }
0x1be: {  	[hbm4b:s14+s5] =	stream.linear.scatter [tilespmem:s29], [sflag:$0x5], $0xC8, $0x38;
	[tilespmem:$0x1B580] =	vst v63  }
0x1bf: {  	_ =	swait.ge [sflag:s30], $0x3200  }
0x1c0: {  	[sflag:s30] =	ssyncset.done $0x0  }
0x1c1: {  	[sflag:s30] =	ssyncadd.s32 $0xFFFFCE00  }
0x1c2: {  	_ =	swait.ge [sflag:s8], $0x3200  }
0x1c3: {  	[sflag:s8] =	ssyncset.done $0x0  }
0x1c4: {  	s14 =	simm.s32 @!p1 $0x6;
	[sflag:s8] =	ssyncadd.s32 $0xFFFFCE00  }
0x1c5: {  	_ =	swait.ge @!p1 [sflag:s14], $0xC8  }
0x1c6: {  	s18 =	simm.s32 $0xB240;
	[sflag:s14] =	ssyncset.done @!p1 $0x0  }
0x1c7: {  	s19 =	simm.s32 $0xE440;
	[sflag:s14] =	ssyncadd.s32 @!p1 $0xFFFFFF38;
	s14 =	simm.s32 $0x0  }
.LBB2_19:
0x1c8: {  	v7 =	vld [tilespmem:s19+$0xFFFFFFF0]  }
0x1c9: {  	v8 =	vld [tilespmem:s18+$0xFFFFFFF0]  }
0x1ca: {  	v9 =	vld [tilespmem:s18+$0xFFFFFFE0]  }
0x1cb: {  	v10 =	vld [tilespmem:s19+$0xFFFFFFE0]  }
0x1cc: {  	v11 =	vld [tilespmem:s18+$0x0]  }
0x1cd: {  	v12 =	vld [tilespmem:s18+$0x10]  }
0x1ce: {  	v13 =	vld [tilespmem:s19+$0x0];
	v8 =	vmul.bf16 v8, v4  }
0x1cf: {  	v14 =	vld [tilespmem:s19+$0x10];
	v9 =	vmul.bf16 v9, v3  }
0x1d0: {  	v7 =	vmul.bf16 v7, v8  }
0x1d1: {  	v8 =	vmul.bf16 v10, v9;
	v9 =	vmul.bf16 v11, v5  }
0x1d2: {  	v12 =	vmul.bf16 v12, v6;
	v11 =	vunpack.i.u.bf16.f32 v7;
	v7 =	vunpack.i.l.bf16.f32 v7  }
0x1d3: {  	s17 =	simm.s32 $0x1;
	v15 =	vunpack.i.u.bf16.f32 v8;
	v8 =	vunpack.i.l.bf16.f32 v8;
	v10 =	vmul.bf16 v13, v9  }
0x1d4: {  	s15 =	smov.u32 s18;
	s31 =	smov.u32 s19;
	s16 =	simm.s32 $0x0;
	v8 =	vadd.f32 v7, v8;
	v9 =	vadd.f32 v11, v15;
	v7 =	vmul.bf16 v14, v12  }
.LBB2_20:
0x1d5: {  	p1 =	sne.s32 s17, $0xF;
	v11 =	vunpack.i.u.bf16.f32 v10;
	v10 =	vunpack.i.l.bf16.f32 v10;
	s15 =	sadd.s32 $0x40, s15;
	s31 =	sadd.s32 $0x40, s31  }
0x1d6: {  	s21 =	smov.u32 s17;
	s17 =	sadd.s32 $0x1, s17;
	v8 =	vadd.f32 v10, v8;
	v9 =	vadd.f32 v11, v9  }
0x1d7: {  	v10 =	vunpack.i.u.bf16.f32 v7;
	v7 =	vunpack.i.l.bf16.f32 v7;
	v11 =	vor.u32 s16, v0;
	s16 =	smov.u32 s21  }
0x1d8: {  	v7 =	vadd.f32 v7, v8;
	v8 =	vadd.f32 v10, v9;
	_ =	sdelay $0x1  }
0x1d9: {  	v7 =	vadd.f32 v7, v8;
	_ =	sdelay $0x1  }
0x1da: {  	[tilespmem:v11+s2+$0x0] =	vst.idx.msk $0xffff, v7  }
0x1db: {  	v7 =	vld [tilespmem:s31+$0xFFFFFFF0]  }
0x1dc: {  	v8 =	vld [tilespmem:s15+$0xFFFFFFF0]  }
0x1dd: {  	v9 =	vld [tilespmem:s15+$0xFFFFFFE0]  }
0x1de: {  	v10 =	vld [tilespmem:s31+$0xFFFFFFE0]  }
0x1df: {  	v11 =	vld [tilespmem:s15+$0x0]  }
0x1e0: {  	v12 =	vld [tilespmem:s15+$0x10]  }
0x1e1: {  	v8 =	vmul.bf16 v8, v4;
	v13 =	vld [tilespmem:s31+$0x0]  }
0x1e2: {  	v9 =	vmul.bf16 v9, v3;
	v14 =	vld [tilespmem:s31+$0x10]  }
.Ltmp8:
0x1e3: {  	v7 =	vmul.bf16 v7, v8;
	(pc) =	sbr.rel @p1 .LBB2_20-.Ltmp8, $4  }
0x1e4: {  	v8 =	vmul.bf16 v10, v9;
	v9 =	vmul.bf16 v11, v5  }
0x1e5: {  	v11 =	vunpack.i.u.bf16.f32 v7;
	v7 =	vunpack.i.l.bf16.f32 v7;
	v12 =	vmul.bf16 v12, v6  }
0x1e6: {  	v15 =	vunpack.i.u.bf16.f32 v8;
	v8 =	vunpack.i.l.bf16.f32 v8;
	v10 =	vmul.bf16 v13, v9  }
0x1e7: {  	v8 =	vadd.f32 v7, v8;
	v9 =	vadd.f32 v11, v15;
	v7 =	vmul.bf16 v14, v12  }
0x1e8: {  	v11 =	vunpack.i.u.bf16.f32 v10;
	v51 =	vunpack.i.l.bf16.f32 v10  }
0x1e9: {  	v8 =	vadd.f32 v51, v8;
	v9 =	vadd.f32 v11, v9  }
0x1ea: {  	v53 =	vor.u32 s16, v0;
	v52 =	vunpack.i.u.bf16.f32 v7;
	v7 =	vunpack.i.l.bf16.f32 v7  }
0x1eb: {  	v7 =	vadd.f32 v7, v8;
	v8 =	vadd.f32 v52, v9;
	_ =	sdelay $0x1  }
0x1ec: {  	v7 =	vadd.f32 v7, v8;
	_ =	sdelay $0x1  }
0x1ed: {  	[tilespmem:v53+s2+$0x0] =	vst.idx.msk $0xffff, v7  }
0x1ee: {  	v7 =	vld [tilespmem:$0x1B480]  }
0x1ef: {  	v8 =	vld [tilespmem:$0x1B490]  }
0x1f0: {  	v54 =	vld [tilespmem:$0x1B4A0]  }
0x1f1: {  	v55 =	vld [tilespmem:$0x1B4B0]  }
0x1f2: {  	v11 =	vld [tilespmem:$0x1B4C0]  }
0x1f3: {  	v12 =	vld [tilespmem:$0x1B4D0]  }
0x1f4: {  	v13 =	vld [tilespmem:$0x1B4E0]  }
0x1f5: {  	v14 =	vld [tilespmem:$0x1B4F0]  }
0x1f6: {  	v15 =	vld [tilespmem:$0x1B500]  }
0x1f7: {  	v16 =	vld [tilespmem:$0x1B510]  }
0x1f8: {  	v17 =	vld [tilespmem:$0x1B520]  }
0x1f9: {  	v18 =	vld [tilespmem:$0x1B530]  }
0x1fa: {  	v19 =	vld [tilespmem:$0x1B540]  }
0x1fb: {  	v20 =	vld [tilespmem:$0x1B550]  }
0x1fc: {  	v21 =	vld [tilespmem:$0x1B560]  }
0x1fd: {  	v22 =	vld [tilespmem:$0x1B570];
	_ =	sdelay $0x1  }
0x1fe: {  	v7 =	vadd.f32 v8, v7;
	v8 =	vadd.f32 v55, v54  }
0x1ff: {  	v56 =	vadd.f32 v12, v11;
	v57 =	vadd.f32 v14, v13  }
0x200: {  	v58 =	vadd.f32 v16, v15;
	v59 =	vadd.f32 v18, v17  }
0x201: {  	v60 =	vadd.f32 v20, v19;
	v61 =	vadd.f32 v22, v21  }
0x202: {  	v7 =	vadd.f32 v8, v7;
	v8 =	vadd.f32 v57, v56  }
0x203: {  	v62 =	vadd.f32 v59, v58;
	v63 =	vadd.f32 v61, v60;
	_ =	sdelay $0x1  }
0x204: {  	s15 =	sshll.u32 s14, $0x4;
	s14 =	sadd.s32 $0x1, s14;
	v7 =	vadd.f32 v8, v7;
	v8 =	vadd.f32 v63, v62  }
0x205: {  	p1 =	sne.s32 s14, $0xC  }
.Ltmp9:
0x206: {  	v7 =	vadd.f32 v8, v7;
	(pc) =	sbr.rel @p1 .LBB2_19-.Ltmp9, $4  }
0x207: {  	_ = 	snop  }
0x208: {  	v7 =	vadd.f32 v7, v2  }
0x209: {  	s15 =	sand.u32 $0x3FFFFFF0, s15  }
0x20a: {  	s18 =	sadd.s32 $0x400, s18;
	s19 =	sadd.s32 $0x400, s19;
	[tilespmem:s15+$0x116E8] =	vst v7  }
0x20b: {  	s14 =	simm.s32 $0x11450  }
0x20c: {  	s15 =	simm.s32 $0xE250;
	v7 =	vld [tilespmem:s14+$0xFFFFFFE0]  }
0x20d: {  	v8 =	vld [tilespmem:s15+$0xFFFFFFE0]  }
0x20e: {  	v9 =	vld [tilespmem:s15+$0xFFFFFFD0]  }
0x20f: {  	v10 =	vld [tilespmem:s14+$0xFFFFFFD0]  }
0x210: {  	v11 =	vld [tilespmem:s15+$0xFFFFFFF0]  }
0x211: {  	v12 =	vld [tilespmem:s15+$0x0]  }
0x212: {  	v13 =	vld [tilespmem:s14+$0xFFFFFFF0];
	v8 =	vmul.bf16 v8, v4  }
0x213: {  	v14 =	vld [tilespmem:s14+$0x0];
	v9 =	vmul.bf16 v9, v3  }
0x214: {  	v7 =	vmul.bf16 v7, v8  }
0x215: {  	v8 =	vmul.bf16 v10, v9;
	v9 =	vmul.bf16 v11, v5  }
0x216: {  	v11 =	vmul.bf16 v12, v6;
	v10 =	vunpack.i.u.bf16.f32 v7;
	v7 =	vunpack.i.l.bf16.f32 v7  }
0x217: {  	v63 =	vunpack.i.u.bf16.f32 v8;
	v15 =	vunpack.i.l.bf16.f32 v8;
	v8 =	vmul.bf16 v13, v9  }
0x218: {  	s31 =	simm.s32 $0x0;
	s16 =	simm.s32 $0x1;
	v9 =	vadd.f32 v7, v15;
	v10 =	vadd.f32 v10, v63;
	v7 =	vmul.bf16 v14, v11  }
.LBB2_23:
0x219: {  	p1 =	sne.s32 s16, $0x7;
	v11 =	vunpack.i.u.bf16.f32 v8;
	v8 =	vunpack.i.l.bf16.f32 v8;
	s15 =	sadd.s32 $0x40, s15;
	s14 =	sadd.s32 $0x40, s14  }
0x21a: {  	s17 =	smov.u32 s16;
	s16 =	sadd.s32 $0x1, s16;
	v8 =	vadd.f32 v8, v9;
	v9 =	vadd.f32 v11, v10  }
0x21b: {  	v10 =	vunpack.i.u.bf16.f32 v7;
	v7 =	vunpack.i.l.bf16.f32 v7;
	v11 =	vor.u32 s31, v0;
	s31 =	smov.u32 s17  }
0x21c: {  	v7 =	vadd.f32 v7, v8;
	v8 =	vadd.f32 v10, v9;
	_ =	sdelay $0x1  }
0x21d: {  	v7 =	vadd.f32 v7, v8;
	_ =	sdelay $0x1  }
0x21e: {  	[tilespmem:v11+s2+$0x0] =	vst.idx.msk $0xffff, v7  }
0x21f: {  	v7 =	vld [tilespmem:s14+$0xFFFFFFE0]  }
0x220: {  	v8 =	vld [tilespmem:s15+$0xFFFFFFE0]  }
0x221: {  	v9 =	vld [tilespmem:s15+$0xFFFFFFD0]  }
0x222: {  	v10 =	vld [tilespmem:s14+$0xFFFFFFD0]  }
0x223: {  	v11 =	vld [tilespmem:s15+$0xFFFFFFF0]  }
0x224: {  	v12 =	vld [tilespmem:s15+$0x0]  }
0x225: {  	v8 =	vmul.bf16 v8, v4;
	v13 =	vld [tilespmem:s14+$0xFFFFFFF0]  }
0x226: {  	v9 =	vmul.bf16 v9, v3;
	v14 =	vld [tilespmem:s14+$0x0]  }
.Ltmp10:
0x227: {  	v7 =	vmul.bf16 v7, v8;
	(pc) =	sbr.rel @p1 .LBB2_23-.Ltmp10, $4  }
0x228: {  	v8 =	vmul.bf16 v10, v9;
	v9 =	vmul.bf16 v11, v5  }
0x229: {  	v10 =	vunpack.i.u.bf16.f32 v7;
	v7 =	vunpack.i.l.bf16.f32 v7;
	v11 =	vmul.bf16 v12, v6  }
0x22a: {  	v12 =	vunpack.i.u.bf16.f32 v8;
	v15 =	vunpack.i.l.bf16.f32 v8;
	v8 =	vmul.bf16 v13, v9  }
0x22b: {  	v9 =	vadd.f32 v7, v15;
	v10 =	vadd.f32 v10, v12;
	v7 =	vmul.bf16 v14, v11  }
0x22c: {  	v11 =	vunpack.i.u.bf16.f32 v8;
	v8 =	vunpack.i.l.bf16.f32 v8  }
0x22d: {  	v8 =	vadd.f32 v8, v9;
	v51 =	vadd.f32 v11, v10  }
0x22e: {  	v53 =	vor.u32 s31, v0;
	v52 =	vunpack.i.u.bf16.f32 v7;
	v7 =	vunpack.i.l.bf16.f32 v7  }
0x22f: {  	v7 =	vadd.f32 v7, v8;
	v8 =	vadd.f32 v52, v51;
	_ =	sdelay $0x1  }
0x230: {  	v7 =	vadd.f32 v7, v8;
	_ =	sdelay $0x1  }
0x231: {  	[tilespmem:v53+s2+$0x0] =	vst.idx.msk $0xffff, v7  }
0x232: {  	v7 =	vld [tilespmem:$0x1B480]  }
0x233: {  	v8 =	vld [tilespmem:$0x1B490]  }
0x234: {  	v54 =	vld [tilespmem:$0x1B4A0]  }
0x235: {  	v55 =	vld [tilespmem:$0x1B4B0]  }
0x236: {  	v11 =	vld [tilespmem:$0x1B4C0]  }
0x237: {  	v12 =	vld [tilespmem:$0x1B4D0]  }
0x238: {  	v13 =	vld [tilespmem:$0x1B4E0]  }
0x239: {  	v14 =	vld [tilespmem:$0x1B4F0]  }
0x23a: {  	v15 =	vld [tilespmem:$0x1B500]  }
0x23b: {  	v16 =	vld [tilespmem:$0x1B510]  }
0x23c: {  	v17 =	vld [tilespmem:$0x1B520]  }
0x23d: {  	v18 =	vld [tilespmem:$0x1B530]  }
0x23e: {  	v19 =	vld [tilespmem:$0x1B540]  }
0x23f: {  	v20 =	vld [tilespmem:$0x1B550]  }
0x240: {  	v21 =	vld [tilespmem:$0x1B560]  }
0x241: {  	v22 =	vld [tilespmem:$0x1B570];
	_ =	sdelay $0x1  }
0x242: {  	v7 =	vadd.f32 v8, v7;
	v8 =	vadd.f32 v55, v54  }
0x243: {  	v56 =	vadd.f32 v12, v11;
	v57 =	vadd.f32 v14, v13  }
0x244: {  	v58 =	vadd.f32 v16, v15;
	v59 =	vadd.f32 v18, v17  }
0x245: {  	v60 =	vadd.f32 v20, v19;
	v61 =	vadd.f32 v22, v21  }
0x246: {  	v7 =	vadd.f32 v8, v7;
	v8 =	vadd.f32 v57, v56  }
0x247: {  	v62 =	vadd.f32 v59, v58;
	v63 =	vadd.f32 v61, v60;
	_ =	sdelay $0x1  }
0x248: {  	v7 =	vadd.f32 v8, v7;
	v8 =	vadd.f32 v63, v62;
	_ =	sdelay $0x1  }
0x249: {  	v7 =	vadd.f32 v8, v7;
	_ =	sdelay $0x1  }
0x24a: {  	v7 =	vadd.f32 v7, v2;
	_ =	sdelay $0x1  }
0x24b: {  	s14 =	sadd.s32 @!p0 $0x258, s13;
	s15 =	simm.s32 @!p0 $0xC8;
	s16 =	simm.s32 @!p0 $0xB220;
	[tilespmem:v1+s9+$0x0] =	vst.idx.msk $0xff, v7  }
0x24c: {  	[tilespmem:s16], [sflag:$0x3] =	stream.indirect.gather @!p0 [hbm4b:s7+s15], $0x40, s14, s15, $0xb8;
	[tilespmem:$0x1B580] =	vst v63  }
0x24d: {  	s24 =	sadd.s32 $0x1, s24;
	s14 =	sadd.s32 @!p0 $0x2968, s13;
	s16 =	simm.s32 @!p0 $0xE420  }
0x24e: {  	[tilespmem:s16], [sflag:$0x4] =	stream.indirect.gather @!p0 [hbm4b:s7+s15], $0x40, s14, s15, $0xb8;
	[tilespmem:$0x1B580] =	vst v63  }
0x24f: {  	p0 =	sne.s32 s24, $0x19  }
.Ltmp11:
0x250: {  	_ = 	snop;
	(pc) =	sbr.rel @p0 .LBB2_12-.Ltmp11, $4  }
0x251: {  	s31 =	sadd.s32 s13, s20  }
0x252: {  	s13 =	sshrl.u32 s31, $0x3  }
0x253: {  	s13 =	sadd.s32 s4, s13  }
0x254: {  	[hbm4b:s13+s5] =	stream.linear.scatter [tilespmem:s9], [sflag:$0x6], $0xC8, $0x38;
	[tilespmem:$0x1B580] =	vst v63  }
0x255: {  	_ =	swait.ge [sflag:s10], $0xC8  }
0x256: {  	[sflag:s10] =	ssyncset.done $0x0  }
0x257: {  	[sflag:s10] =	ssyncadd.s32 $0xFFFFFF38  }
0x258: {  	_ =	swait.ge [sflag:s11], $0xC8  }
0x259: {  	s12 =	sadd.s32 $0x1, s12;
	s13 =	rddreg [dreg:$0x14]  }
0x25a: {  	p0 =	sne.s32 s12, s13  }
.Ltmp12:
0x25b: {  	_ = 	snop;
	(pc) =	sbr.rel @p0 .LBB2_1-.Ltmp12, $3  }
0x25c: {  	_ =	sdelay $0x1  }
0x25d: {  	[sflag:s11] =	ssyncset.done $0x0  }
0x25e: {  	s17 =	simm.s32 $0x15630;
	[sflag:s11] =	ssyncadd.s32 $0xFFFFFF38  }
0x25f: {  	_ =	sfence.sel $0x180000  }
0x260: {  	[bflag:$0x0] =	sbarrier.arrive $0xFFFF  }
0x261: {  	_ =	strace $0x90000047  }
0x262: {  	s0 =	stileid.u32;
	[bflag:$0x2] =	sbarrier.arrive $0xFFFF  }
0x263: {  	p0 =	sne.s32 s0, $0x0;
	s0 =	rddreg [dreg:$0x7]  }
0x264: {  	s0 =	sadd.s32 @!p0 $0x100000, s0  }
0x265: {  	[sflag:s0] =	ssyncadd.tile.s32 @!p0 $0x1;
	_ =	shalt  }
.Lfunc_end2:
_tile_overlayer_lowered:
.L_overlay_start_2:
0x266: {  	(tag) =	ssettag $0x2  }
0x267: {  	s0 =	rddreg [dreg:$0x0];
	s2 =	stileid.u32  }
0x268: {  	s1 =	rddreg [dreg:$0x1];
	p0 =	sne.s32 s2, $0x0  }
0x269: {  	s3 =	rddreg [dreg:$0x2];
	[bflag:$0x3] =	sbarrier.arrive $0xFFFF;
	s2 =	simm.s32 @!p0 $0x1C09  }
0x26a: {  	[timem:s3], [sflag:s2] =	dma.local @!p0 [hbm:s0], s1  }
0x26b: {  	s0 =	simm.s32 @!p0 $0x9  }
0x26c: {  	_ =	swait.ge @!p0 [sflag:s0], s1  }
0x26d: {  	s1 =	ssub.s32 @!p0 $0x0, s1;
	[sflag:s0] =	ssyncset.done @!p0 $0x0  }
0x26e: {  	[sflag:s0] =	ssyncadd.s32 @!p0 s1  }
0x26f: {  	[bflag:$0x3] =	sbarrier.arrive $0xFFFF  }
0x270: {  	_ =	shalt  }

</sc_bundles>
